<compile_context>
chip_gen: v7x
topology: tpu7x:2x2x1
jax: 0.10.2.dev20260603
libtpu: 0.0.44.dev20260713+nightly
codegen_flags: <defaults>
</compile_context>

<pallas_src>
import functools
import jax
import jax.numpy as jnp
from jax import lax
from jax.experimental import pallas as pl
from jax.experimental.pallas import tpu as pltpu
from jax.experimental.pallas import tpu_sc as plsc

NC, NS, L = 2, 16, 16
NW = NC * NS
EMBED_DIM = 64
SCALE = 8.0

BATCH = 4096
ROW_W = 200
BT = BATCH // NW
NBUF = 2


def _make_kernel():
    mesh = plsc.VectorSubcoreMesh(
        core_axis_name="c", subcore_axis_name="s", num_cores=NC, num_subcores=NS
    )

    @functools.partial(
        pl.kernel,
        out_type=jax.ShapeDtypeStruct(
            (ROW_W, EMBED_DIM // 8, NW, 8, BT), jnp.float32
        ),
        mesh=mesh,
        scratch_types=[
            pltpu.VMEM((ROW_W, BT), jnp.int32),
            pltpu.VMEM((BT, EMBED_DIM), jnp.float32),
            pltpu.VMEM((BT, EMBED_DIM), jnp.float32),
            pltpu.VMEM((EMBED_DIM // 8, 8, BT + 1), jnp.float32),
            pltpu.VMEM((EMBED_DIM // 8, 8, BT + 1), jnp.float32),
            pltpu.SemaphoreType.DMA,
            pltpu.SemaphoreType.DMA,
            pltpu.SemaphoreType.DMA,
            pltpu.SemaphoreType.DMA,
        ],
        compiler_params=pltpu.CompilerParams(use_tc_tiling_on_sc=False, needs_layout_passes=False),
    )
    def emb_kernel(tok_hbm, table_hbm, out_hbm, idx_v, b0, b1, t0, t1, g0, g1, s0, s1):
        wid = lax.axis_index("s") * NC + lax.axis_index("c")
        bufs = (b0, b1)
        tbufs = (t0, t1)
        gsem = (g0, g1)
        ssem = (s0, s1)
        pltpu.sync_copy(tok_hbm.at[:, pl.ds(wid * BT, BT)], idx_v)

        lane = lax.iota(jnp.int32, 16)

        def fire_gather(b, c):
            pltpu.async_copy(
                table_hbm.at[idx_v.at[c]], bufs[b], gsem[b]
            )

        def drain_gather(b):
            pltpu.make_async_copy(
                table_hbm.at[idx_v.at[0]], bufs[b], gsem[b]
            ).wait()

        jt_c = [(lane + k * 16) // 8 for k in range(EMBED_DIM // 16)]
        s_c = [(lane + k * 16) % 8 for k in range(EMBED_DIM // 16)]

        def transpose_scale(b):
            @pl.loop(0, BT, unroll=8)
            def _(l):
                lvec = jnp.zeros((16,), jnp.int32) + l
                for k in range(EMBED_DIM // 16):
                    v = bufs[b][l, pl.ds(k * 16, 16)]
                    plsc.store_scatter(tbufs[b], [jt_c[k], s_c[k], lvec], v * SCALE)

        def wait_store(b):
            pltpu.make_async_copy(
                tbufs[b].at[:, :, pl.ds(0, BT)], out_hbm.at[0, :, wid], ssem[b]
            ).wait()

        fire_gather(0, 0)

        @pl.loop(0, ROW_W // NBUF)
        def _(o):
            for b in range(NBUF):
                c = o * NBUF + b
                nb = (b + 1) % NBUF

                @pl.when(c + 1 < ROW_W)
                def _():
                    @pl.when(c >= 1)
                    def _():
                        wait_store(nb)

                    fire_gather(nb, c + 1)

                drain_gather(b)
                transpose_scale(b)
                pltpu.async_copy(
                    tbufs[b].at[:, :, pl.ds(0, BT)], out_hbm.at[c, :, wid], ssem[b]
                )

        wait_store(0)
        wait_store(1)

    return emb_kernel


_emb_kernel = _make_kernel()


@jax.jit
def kernel(tokens, table):
    tok_t = tokens.T.astype(jnp.int32)
    o5 = _emb_kernel(tok_t, table)
    return o5.transpose(2, 4, 0, 1, 3).reshape(BATCH, ROW_W, EMBED_DIM)

# --- scband reference (transcript-rebuilt; emitter-appended) ---
"""Pipeline reference for scband-token-embedding-26774826123335 (READ-ONLY COPY).

The authoritative reference and input builder live on the scoring server;
editing this copy changes nothing except your own understanding.
"""

import jax, jax.numpy as jnp
import numpy as np
import math

CHARSET_SIZE = 1000000
EMBED_DIM = 64

def setup_inputs(seed: int = 0) -> dict:
    key = jax.random.key(seed)
    k1, k2 = jax.random.split(key)
    tokens = jax.random.randint(k1, (4096, 200), 0, CHARSET_SIZE, dtype=jnp.int64 if jax.config.jax_enable_x64 else jnp.int32)
    table = jax.random.normal(k2, (CHARSET_SIZE, EMBED_DIM), dtype=jnp.float32)
    return {"tokens": tokens, "table": table}

def reference(tokens, table):
    # math.sqrt(embed_dim) * embedding(tokens)
    emb = jnp.take(table, tokens, axis=0)
    return math.sqrt(EMBED_DIM) * emb

if __name__ == "__main__":
    import jax
    _d = setup_inputs()
    print(jax.jit(kernel)(*tuple(_d.values())))

</pallas_src>

<mosaic_0001>
#map = affine_map<(d0, d1) -> (0, 0)>
#map1 = affine_map<(d0, d1) -> (0, 0, 0, 0, 0)>
module attributes {stable_mosaic.version = 14 : i64} {
  func.func @emb_kernel(%arg0: i32, %arg1: i32, %arg2: memref<200x4096xi32, #tpu.memory_space<hbm>>, %arg3: memref<1000000x64xf32, #tpu.memory_space<hbm>>, %arg4: memref<200x8x32x8x128xf32, #tpu.memory_space<hbm>>, %arg5: memref<200x128xi32, #tpu.memory_space<vmem>>, %arg6: memref<128x64xf32, #tpu.memory_space<vmem>>, %arg7: memref<128x64xf32, #tpu.memory_space<vmem>>, %arg8: memref<8x8x129xf32, #tpu.memory_space<vmem>>, %arg9: memref<8x8x129xf32, #tpu.memory_space<vmem>>, %arg10: memref<!tpu.dma_semaphore, #tpu.memory_space<semaphore_mem>>, %arg11: memref<!tpu.dma_semaphore, #tpu.memory_space<semaphore_mem>>, %arg12: memref<!tpu.dma_semaphore, #tpu.memory_space<semaphore_mem>>, %arg13: memref<!tpu.dma_semaphore, #tpu.memory_space<semaphore_mem>>) attributes {dimension_semantics = [#tpu.dimension_semantics<core_parallel>, #tpu.dimension_semantics<subcore_parallel>], iteration_bounds = array<i64: 2, 16>, scalar_prefetch = 0 : i64, scratch_operands = 9 : i64, tpu.core_type = #tpu.core_type<sc_vector_subcore>, window_params = [{transform_indices = #map}, {transform_indices = #map}, {transform_indices = #map1}]} {
    %mul3A = arith.constant 2 : i32
    %mul3A_0 = arith.muli %arg1, %mul3A : i32
    %add3A = arith.addi %mul3A_0, %arg0 : i32
    %mul3A_1 = arith.constant 128 : i32
    %mul3A_2 = arith.muli %add3A, %mul3A_1 : i32
    "tpu.region"() ({
      %run_scoped3A = tpu.sem_alloc : memref<!tpu.dma_semaphore, #tpu.memory_space<semaphore_mem>>
      %dma_start3A_276 = arith.constant 0 : i32
      %dma_start3A_277 = tpu.memref_slice %arg2[%dma_start3A_276, %mul3A_2] : memref<200x4096xi32, #tpu.memory_space<hbm>> -> memref<200x128xi32, #tpu.memory_space<hbm>>
      %dma_start3A_278 = arith.constant 0 : i32
      %dma_start3A_279 = tpu.memref_slice %arg2[%dma_start3A_278, %mul3A_2] : memref<200x4096xi32, #tpu.memory_space<hbm>> -> memref<200x128xi32, #tpu.memory_space<hbm>>
      tpu.enqueue_dma source(%dma_start3A_279 : memref<200x128xi32, #tpu.memory_space<hbm>>) target(%arg5 : memref<200x128xi32, #tpu.memory_space<vmem>>) target_semaphore(%run_scoped3A : memref<!tpu.dma_semaphore, #tpu.memory_space<semaphore_mem>>)
      %dma_wait3A_280 = arith.constant 0 : i32
      %dma_wait3A_281 = tpu.memref_slice %arg2[%dma_wait3A_280, %mul3A_2] : memref<200x4096xi32, #tpu.memory_space<hbm>> -> memref<200x128xi32, #tpu.memory_space<hbm>>
      %dma_wait3A_282 = arith.constant 0 : i32
      %dma_wait3A_283 = tpu.memref_slice %arg2[%dma_wait3A_282, %mul3A_2] : memref<200x4096xi32, #tpu.memory_space<hbm>> -> memref<200x128xi32, #tpu.memory_space<hbm>>
      tpu.wait_dma2 semaphore(%run_scoped3A : memref<!tpu.dma_semaphore, #tpu.memory_space<semaphore_mem>>) src(%dma_wait3A_283 : memref<200x128xi32, #tpu.memory_space<hbm>>) dst(%arg5 : memref<200x128xi32, #tpu.memory_space<vmem>>)
      tpu.yield
    }) : () -> ()
    %iota3A = tpu.iota {dimensions = array<i32: 0>} : vector<16xi32>
    %add3A_3 = arith.constant 0 : i32
    %add3A_4 = vector.broadcast %add3A_3 : i32 to vector<16xi32>
    %add3A_5 = arith.addi %iota3A, %add3A_4 : vector<16xi32>
    %jit3A = arith.constant 8 : i32
    %div3A = vector.broadcast %jit3A : i32 to vector<16xi32>
    %div3A_6 = arith.divsi %add3A_5, %div3A : vector<16xi32>
    %sign3A = arith.constant 0 : i32
    %sign3A_7 = vector.broadcast %sign3A : i32 to vector<16xi32>
    %sign3A_8 = arith.cmpi sgt, %add3A_5, %sign3A_7 : vector<16xi32>
    %sign3A_9 = arith.extui %sign3A_8 : vector<16xi1> to vector<16xi32>
    %sign3A_10 = arith.constant 0 : i32
    %sign3A_11 = vector.broadcast %sign3A_10 : i32 to vector<16xi32>
    %sign3A_12 = arith.cmpi slt, %add3A_5, %sign3A_11 : vector<16xi32>
    %sign3A_13 = arith.extui %sign3A_12 : vector<16xi1> to vector<16xi32>
    %sign3A_14 = arith.subi %sign3A_9, %sign3A_13 : vector<16xi32>
    %sign3A_15 = arith.constant 0 : i32
    %sign3A_16 = arith.cmpi sgt, %jit3A, %sign3A_15 : i32
    %sign3A_17 = arith.extui %sign3A_16 : i1 to i32
    %sign3A_18 = arith.constant 0 : i32
    %sign3A_19 = arith.cmpi slt, %jit3A, %sign3A_18 : i32
    %sign3A_20 = arith.extui %sign3A_19 : i1 to i32
    %sign3A_21 = arith.subi %sign3A_17, %sign3A_20 : i32
    %ne3A = vector.broadcast %sign3A_21 : i32 to vector<16xi32>
    %ne3A_22 = arith.cmpi ne, %sign3A_14, %ne3A : vector<16xi32>
    %rem3A = vector.broadcast %jit3A : i32 to vector<16xi32>
    %rem3A_23 = arith.remsi %add3A_5, %rem3A : vector<16xi32>
    %ne3A_24 = arith.constant 0 : i32
    %ne3A_25 = vector.broadcast %ne3A_24 : i32 to vector<16xi32>
    %ne3A_26 = arith.cmpi ne, %rem3A_23, %ne3A_25 : vector<16xi32>
    %and3A = arith.andi %ne3A_22, %ne3A_26 : vector<16xi1>
    %sub3A = arith.constant 1 : i32
    %sub3A_27 = vector.broadcast %sub3A : i32 to vector<16xi32>
    %sub3A_28 = arith.subi %div3A_6, %sub3A_27 : vector<16xi32>
    %select_n3A = arith.select %and3A, %sub3A_28, %div3A_6 : vector<16xi1>, vector<16xi32>
    %add3A_29 = arith.constant 16 : i32
    %add3A_30 = vector.broadcast %add3A_29 : i32 to vector<16xi32>
    %add3A_31 = arith.addi %iota3A, %add3A_30 : vector<16xi32>
    %jit3A_32 = arith.constant 8 : i32
    %div3A_33 = vector.broadcast %jit3A_32 : i32 to vector<16xi32>
    %div3A_34 = arith.divsi %add3A_31, %div3A_33 : vector<16xi32>
    %sign3A_35 = arith.constant 0 : i32
    %sign3A_36 = vector.broadcast %sign3A_35 : i32 to vector<16xi32>
    %sign3A_37 = arith.cmpi sgt, %add3A_31, %sign3A_36 : vector<16xi32>
    %sign3A_38 = arith.extui %sign3A_37 : vector<16xi1> to vector<16xi32>
    %sign3A_39 = arith.constant 0 : i32
    %sign3A_40 = vector.broadcast %sign3A_39 : i32 to vector<16xi32>
    %sign3A_41 = arith.cmpi slt, %add3A_31, %sign3A_40 : vector<16xi32>
    %sign3A_42 = arith.extui %sign3A_41 : vector<16xi1> to vector<16xi32>
    %sign3A_43 = arith.subi %sign3A_38, %sign3A_42 : vector<16xi32>
    %sign3A_44 = arith.constant 0 : i32
    %sign3A_45 = arith.cmpi sgt, %jit3A_32, %sign3A_44 : i32
    %sign3A_46 = arith.extui %sign3A_45 : i1 to i32
    %sign3A_47 = arith.constant 0 : i32
    %sign3A_48 = arith.cmpi slt, %jit3A_32, %sign3A_47 : i32
    %sign3A_49 = arith.extui %sign3A_48 : i1 to i32
    %sign3A_50 = arith.subi %sign3A_46, %sign3A_49 : i32
    %ne3A_51 = vector.broadcast %sign3A_50 : i32 to vector<16xi32>
    %ne3A_52 = arith.cmpi ne, %sign3A_43, %ne3A_51 : vector<16xi32>
    %rem3A_53 = vector.broadcast %jit3A_32 : i32 to vector<16xi32>
    %rem3A_54 = arith.remsi %add3A_31, %rem3A_53 : vector<16xi32>
    %ne3A_55 = arith.constant 0 : i32
    %ne3A_56 = vector.broadcast %ne3A_55 : i32 to vector<16xi32>
    %ne3A_57 = arith.cmpi ne, %rem3A_54, %ne3A_56 : vector<16xi32>
    %and3A_58 = arith.andi %ne3A_52, %ne3A_57 : vector<16xi1>
    %sub3A_59 = arith.constant 1 : i32
    %sub3A_60 = vector.broadcast %sub3A_59 : i32 to vector<16xi32>
    %sub3A_61 = arith.subi %div3A_34, %sub3A_60 : vector<16xi32>
    %select_n3A_62 = arith.select %and3A_58, %sub3A_61, %div3A_34 : vector<16xi1>, vector<16xi32>
    %add3A_63 = arith.constant 32 : i32
    %add3A_64 = vector.broadcast %add3A_63 : i32 to vector<16xi32>
    %add3A_65 = arith.addi %iota3A, %add3A_64 : vector<16xi32>
    %jit3A_66 = arith.constant 8 : i32
    %div3A_67 = vector.broadcast %jit3A_66 : i32 to vector<16xi32>
    %div3A_68 = arith.divsi %add3A_65, %div3A_67 : vector<16xi32>
    %sign3A_69 = arith.constant 0 : i32
    %sign3A_70 = vector.broadcast %sign3A_69 : i32 to vector<16xi32>
    %sign3A_71 = arith.cmpi sgt, %add3A_65, %sign3A_70 : vector<16xi32>
    %sign3A_72 = arith.extui %sign3A_71 : vector<16xi1> to vector<16xi32>
    %sign3A_73 = arith.constant 0 : i32
    %sign3A_74 = vector.broadcast %sign3A_73 : i32 to vector<16xi32>
    %sign3A_75 = arith.cmpi slt, %add3A_65, %sign3A_74 : vector<16xi32>
    %sign3A_76 = arith.extui %sign3A_75 : vector<16xi1> to vector<16xi32>
    %sign3A_77 = arith.subi %sign3A_72, %sign3A_76 : vector<16xi32>
    %sign3A_78 = arith.constant 0 : i32
    %sign3A_79 = arith.cmpi sgt, %jit3A_66, %sign3A_78 : i32
    %sign3A_80 = arith.extui %sign3A_79 : i1 to i32
    %sign3A_81 = arith.constant 0 : i32
    %sign3A_82 = arith.cmpi slt, %jit3A_66, %sign3A_81 : i32
    %sign3A_83 = arith.extui %sign3A_82 : i1 to i32
    %sign3A_84 = arith.subi %sign3A_80, %sign3A_83 : i32
    %ne3A_85 = vector.broadcast %sign3A_84 : i32 to vector<16xi32>
    %ne3A_86 = arith.cmpi ne, %sign3A_77, %ne3A_85 : vector<16xi32>
    %rem3A_87 = vector.broadcast %jit3A_66 : i32 to vector<16xi32>
    %rem3A_88 = arith.remsi %add3A_65, %rem3A_87 : vector<16xi32>
    %ne3A_89 = arith.constant 0 : i32
    %ne3A_90 = vector.broadcast %ne3A_89 : i32 to vector<16xi32>
    %ne3A_91 = arith.cmpi ne, %rem3A_88, %ne3A_90 : vector<16xi32>
    %and3A_92 = arith.andi %ne3A_86, %ne3A_91 : vector<16xi1>
    %sub3A_93 = arith.constant 1 : i32
    %sub3A_94 = vector.broadcast %sub3A_93 : i32 to vector<16xi32>
    %sub3A_95 = arith.subi %div3A_68, %sub3A_94 : vector<16xi32>
    %select_n3A_96 = arith.select %and3A_92, %sub3A_95, %div3A_68 : vector<16xi1>, vector<16xi32>
    %add3A_97 = arith.constant 48 : i32
    %add3A_98 = vector.broadcast %add3A_97 : i32 to vector<16xi32>
    %add3A_99 = arith.addi %iota3A, %add3A_98 : vector<16xi32>
    %jit3A_100 = arith.constant 8 : i32
    %div3A_101 = vector.broadcast %jit3A_100 : i32 to vector<16xi32>
    %div3A_102 = arith.divsi %add3A_99, %div3A_101 : vector<16xi32>
    %sign3A_103 = arith.constant 0 : i32
    %sign3A_104 = vector.broadcast %sign3A_103 : i32 to vector<16xi32>
    %sign3A_105 = arith.cmpi sgt, %add3A_99, %sign3A_104 : vector<16xi32>
    %sign3A_106 = arith.extui %sign3A_105 : vector<16xi1> to vector<16xi32>
    %sign3A_107 = arith.constant 0 : i32
    %sign3A_108 = vector.broadcast %sign3A_107 : i32 to vector<16xi32>
    %sign3A_109 = arith.cmpi slt, %add3A_99, %sign3A_108 : vector<16xi32>
    %sign3A_110 = arith.extui %sign3A_109 : vector<16xi1> to vector<16xi32>
    %sign3A_111 = arith.subi %sign3A_106, %sign3A_110 : vector<16xi32>
    %sign3A_112 = arith.constant 0 : i32
    %sign3A_113 = arith.cmpi sgt, %jit3A_100, %sign3A_112 : i32
    %sign3A_114 = arith.extui %sign3A_113 : i1 to i32
    %sign3A_115 = arith.constant 0 : i32
    %sign3A_116 = arith.cmpi slt, %jit3A_100, %sign3A_115 : i32
    %sign3A_117 = arith.extui %sign3A_116 : i1 to i32
    %sign3A_118 = arith.subi %sign3A_114, %sign3A_117 : i32
    %ne3A_119 = vector.broadcast %sign3A_118 : i32 to vector<16xi32>
    %ne3A_120 = arith.cmpi ne, %sign3A_111, %ne3A_119 : vector<16xi32>
    %rem3A_121 = vector.broadcast %jit3A_100 : i32 to vector<16xi32>
    %rem3A_122 = arith.remsi %add3A_99, %rem3A_121 : vector<16xi32>
    %ne3A_123 = arith.constant 0 : i32
    %ne3A_124 = vector.broadcast %ne3A_123 : i32 to vector<16xi32>
    %ne3A_125 = arith.cmpi ne, %rem3A_122, %ne3A_124 : vector<16xi32>
    %and3A_126 = arith.andi %ne3A_120, %ne3A_125 : vector<16xi1>
    %sub3A_127 = arith.constant 1 : i32
    %sub3A_128 = vector.broadcast %sub3A_127 : i32 to vector<16xi32>
    %sub3A_129 = arith.subi %div3A_102, %sub3A_128 : vector<16xi32>
    %select_n3A_130 = arith.select %and3A_126, %sub3A_129, %div3A_102 : vector<16xi1>, vector<16xi32>
    %add3A_131 = arith.constant 0 : i32
    %add3A_132 = vector.broadcast %add3A_131 : i32 to vector<16xi32>
    %add3A_133 = arith.addi %iota3A, %add3A_132 : vector<16xi32>
    %jit3A_134 = arith.constant 8 : i32
    %eq3A = arith.constant 0 : i32
    %eq3A_135 = arith.cmpi eq, %jit3A_134, %eq3A : i32
    %jit3A_136 = arith.constant 1 : i32
    %select_n3A_137 = arith.select %eq3A_135, %jit3A_136, %jit3A_134 : i32
    %rem3A_138 = vector.broadcast %select_n3A_137 : i32 to vector<16xi32>
    %rem3A_139 = arith.remsi %add3A_133, %rem3A_138 : vector<16xi32>
    %ne3A_140 = arith.constant 0 : i32
    %ne3A_141 = vector.broadcast %ne3A_140 : i32 to vector<16xi32>
    %ne3A_142 = arith.cmpi ne, %rem3A_139, %ne3A_141 : vector<16xi32>
    %lt3A = arith.constant 0 : i32
    %lt3A_143 = vector.broadcast %lt3A : i32 to vector<16xi32>
    %lt3A_144 = arith.cmpi slt, %rem3A_139, %lt3A_143 : vector<16xi32>
    %lt3A_145 = arith.constant 0 : i32
    %lt3A_146 = arith.cmpi slt, %select_n3A_137, %lt3A_145 : i32
    %ne3A_147 = vector.broadcast %lt3A_146 : i1 to vector<16xi1>
    %ne3A_148 = vector.broadcast %ne3A_147 : vector<16xi1> to vector<16xi1>
    %ne3A_149 = arith.xori %lt3A_144, %ne3A_148 : vector<16xi1>
    %and3A_150 = arith.andi %ne3A_149, %ne3A_142 : vector<16xi1>
    %add3A_151 = vector.broadcast %select_n3A_137 : i32 to vector<16xi32>
    %add3A_152 = arith.addi %rem3A_139, %add3A_151 : vector<16xi32>
    %select_n3A_153 = arith.select %and3A_150, %add3A_152, %rem3A_139 : vector<16xi1>, vector<16xi32>
    %add3A_154 = arith.constant 16 : i32
    %add3A_155 = vector.broadcast %add3A_154 : i32 to vector<16xi32>
    %add3A_156 = arith.addi %iota3A, %add3A_155 : vector<16xi32>
    %jit3A_157 = arith.constant 8 : i32
    %eq3A_158 = arith.constant 0 : i32
    %eq3A_159 = arith.cmpi eq, %jit3A_157, %eq3A_158 : i32
    %jit3A_160 = arith.constant 1 : i32
    %select_n3A_161 = arith.select %eq3A_159, %jit3A_160, %jit3A_157 : i32
    %rem3A_162 = vector.broadcast %select_n3A_161 : i32 to vector<16xi32>
    %rem3A_163 = arith.remsi %add3A_156, %rem3A_162 : vector<16xi32>
    %ne3A_164 = arith.constant 0 : i32
    %ne3A_165 = vector.broadcast %ne3A_164 : i32 to vector<16xi32>
    %ne3A_166 = arith.cmpi ne, %rem3A_163, %ne3A_165 : vector<16xi32>
    %lt3A_167 = arith.constant 0 : i32
    %lt3A_168 = vector.broadcast %lt3A_167 : i32 to vector<16xi32>
    %lt3A_169 = arith.cmpi slt, %rem3A_163, %lt3A_168 : vector<16xi32>
    %lt3A_170 = arith.constant 0 : i32
    %lt3A_171 = arith.cmpi slt, %select_n3A_161, %lt3A_170 : i32
    %ne3A_172 = vector.broadcast %lt3A_171 : i1 to vector<16xi1>
    %ne3A_173 = vector.broadcast %ne3A_172 : vector<16xi1> to vector<16xi1>
    %ne3A_174 = arith.xori %lt3A_169, %ne3A_173 : vector<16xi1>
    %and3A_175 = arith.andi %ne3A_174, %ne3A_166 : vector<16xi1>
    %add3A_176 = vector.broadcast %select_n3A_161 : i32 to vector<16xi32>
    %add3A_177 = arith.addi %rem3A_163, %add3A_176 : vector<16xi32>
    %select_n3A_178 = arith.select %and3A_175, %add3A_177, %rem3A_163 : vector<16xi1>, vector<16xi32>
    %add3A_179 = arith.constant 32 : i32
    %add3A_180 = vector.broadcast %add3A_179 : i32 to vector<16xi32>
    %add3A_181 = arith.addi %iota3A, %add3A_180 : vector<16xi32>
    %jit3A_182 = arith.constant 8 : i32
    %eq3A_183 = arith.constant 0 : i32
    %eq3A_184 = arith.cmpi eq, %jit3A_182, %eq3A_183 : i32
    %jit3A_185 = arith.constant 1 : i32
    %select_n3A_186 = arith.select %eq3A_184, %jit3A_185, %jit3A_182 : i32
    %rem3A_187 = vector.broadcast %select_n3A_186 : i32 to vector<16xi32>
    %rem3A_188 = arith.remsi %add3A_181, %rem3A_187 : vector<16xi32>
    %ne3A_189 = arith.constant 0 : i32
    %ne3A_190 = vector.broadcast %ne3A_189 : i32 to vector<16xi32>
    %ne3A_191 = arith.cmpi ne, %rem3A_188, %ne3A_190 : vector<16xi32>
    %lt3A_192 = arith.constant 0 : i32
    %lt3A_193 = vector.broadcast %lt3A_192 : i32 to vector<16xi32>
    %lt3A_194 = arith.cmpi slt, %rem3A_188, %lt3A_193 : vector<16xi32>
    %lt3A_195 = arith.constant 0 : i32
    %lt3A_196 = arith.cmpi slt, %select_n3A_186, %lt3A_195 : i32
    %ne3A_197 = vector.broadcast %lt3A_196 : i1 to vector<16xi1>
    %ne3A_198 = vector.broadcast %ne3A_197 : vector<16xi1> to vector<16xi1>
    %ne3A_199 = arith.xori %lt3A_194, %ne3A_198 : vector<16xi1>
    %and3A_200 = arith.andi %ne3A_199, %ne3A_191 : vector<16xi1>
    %add3A_201 = vector.broadcast %select_n3A_186 : i32 to vector<16xi32>
    %add3A_202 = arith.addi %rem3A_188, %add3A_201 : vector<16xi32>
    %select_n3A_203 = arith.select %and3A_200, %add3A_202, %rem3A_188 : vector<16xi1>, vector<16xi32>
    %add3A_204 = arith.constant 48 : i32
    %add3A_205 = vector.broadcast %add3A_204 : i32 to vector<16xi32>
    %add3A_206 = arith.addi %iota3A, %add3A_205 : vector<16xi32>
    %jit3A_207 = arith.constant 8 : i32
    %eq3A_208 = arith.constant 0 : i32
    %eq3A_209 = arith.cmpi eq, %jit3A_207, %eq3A_208 : i32
    %jit3A_210 = arith.constant 1 : i32
    %select_n3A_211 = arith.select %eq3A_209, %jit3A_210, %jit3A_207 : i32
    %rem3A_212 = vector.broadcast %select_n3A_211 : i32 to vector<16xi32>
    %rem3A_213 = arith.remsi %add3A_206, %rem3A_212 : vector<16xi32>
    %ne3A_214 = arith.constant 0 : i32
    %ne3A_215 = vector.broadcast %ne3A_214 : i32 to vector<16xi32>
    %ne3A_216 = arith.cmpi ne, %rem3A_213, %ne3A_215 : vector<16xi32>
    %lt3A_217 = arith.constant 0 : i32
    %lt3A_218 = vector.broadcast %lt3A_217 : i32 to vector<16xi32>
    %lt3A_219 = arith.cmpi slt, %rem3A_213, %lt3A_218 : vector<16xi32>
    %lt3A_220 = arith.constant 0 : i32
    %lt3A_221 = arith.cmpi slt, %select_n3A_211, %lt3A_220 : i32
    %ne3A_222 = vector.broadcast %lt3A_221 : i1 to vector<16xi1>
    %ne3A_223 = vector.broadcast %ne3A_222 : vector<16xi1> to vector<16xi1>
    %ne3A_224 = arith.xori %lt3A_219, %ne3A_223 : vector<16xi1>
    %and3A_225 = arith.andi %ne3A_224, %ne3A_216 : vector<16xi1>
    %add3A_226 = vector.broadcast %select_n3A_211 : i32 to vector<16xi32>
    %add3A_227 = arith.addi %rem3A_213, %add3A_226 : vector<16xi32>
    %select_n3A_228 = arith.select %and3A_225, %add3A_227, %rem3A_213 : vector<16xi1>, vector<16xi32>
    %dma_start3A = arith.constant 0 : i32
    %dma_start3A_229 = arith.constant 0 : i32
    %dma_start3A_230 = tpu.memref_slice %arg5[%dma_start3A, %dma_start3A_229] : memref<200x128xi32, #tpu.memory_space<vmem>> -> memref<1x128xi32, #tpu.memory_space<vmem>>
    %dma_start3A_231 = tpu.memref_squeeze %dma_start3A_230 : memref<1x128xi32, #tpu.memory_space<vmem>> -> memref<128xi32, #tpu.memory_space<vmem>>
    %dma_start3A_232 = arith.constant 0 : i32
    %dma_start3A_233 = arith.constant 0 : i32
    %dma_start3A_234 = tpu.memref_slice %arg3[%dma_start3A_232, %dma_start3A_233] : memref<1000000x64xf32, #tpu.memory_space<hbm>> -> memref<1000000x64xf32, #tpu.memory_space<hbm>>
    tpu.enqueue_indirect_dma source(%dma_start3A_234 : memref<1000000x64xf32, #tpu.memory_space<hbm>>) target(%arg6 : memref<128x64xf32, #tpu.memory_space<vmem>>) offsets(%dma_start3A_231 : memref<128xi32, #tpu.memory_space<vmem>>) semaphore(%arg10 : memref<!tpu.dma_semaphore, #tpu.memory_space<semaphore_mem>>)
    %scan3A = arith.constant 0 : i32
    %scan3A_235 = arith.constant 100 : i32
    %scan3A_236 = arith.addi %scan3A, %scan3A_235 : i32
    %scan3A_237 = arith.constant 1 : i32
    scf.for %scan3A_276 = %scan3A to %scan3A_236 step %scan3A_237  : i32 {
      %mul3A_277 = arith.constant 1 : i32
      %mul3A_278 = arith.muli %scan3A_276, %mul3A_277 : i32
      %add3A_279 = arith.constant 0 : i32
      %add3A_280 = arith.addi %add3A_279, %mul3A_278 : i32
      %mul3A_281 = arith.constant 2 : i32
      %mul3A_282 = arith.muli %add3A_280, %mul3A_281 : i32
      %add3A_283 = arith.constant 0 : i32
      %add3A_284 = arith.addi %mul3A_282, %add3A_283 : i32
      %add3A_285 = arith.constant 1 : i32
      %add3A_286 = arith.addi %add3A_284, %add3A_285 : i32
      %lt3A_287 = arith.constant 200 : i32
      %lt3A_288 = arith.cmpi slt, %add3A_286, %lt3A_287 : i32
      %convert_element_type3A = arith.extui %lt3A_288 : i1 to i32
      %cond3A = arith.constant 0 : i32
      %cond3A_289 = arith.cmpi ne, %convert_element_type3A, %cond3A : i32
      scf.if %cond3A_289 {
        %ge3A = arith.constant 1 : i32
        %ge3A_361 = arith.cmpi sge, %add3A_284, %ge3A : i32
        %convert_element_type3A_362 = arith.extui %ge3A_361 : i1 to i32
        %cond3A_363 = arith.constant 0 : i32
        %cond3A_364 = arith.cmpi ne, %convert_element_type3A_362, %cond3A_363 : i32
        scf.if %cond3A_364 {
          %dma_wait3A_373 = arith.constant 0 : i32
          %dma_wait3A_374 = arith.constant 0 : i32
          %dma_wait3A_375 = arith.constant 0 : i32
          %dma_wait3A_376 = arith.constant 0 : i32
          %dma_wait3A_377 = tpu.memref_slice %arg9[%dma_wait3A_374, %dma_wait3A_375, %dma_wait3A_376] : memref<8x8x129xf32, #tpu.memory_space<vmem>> -> memref<8x8x128xf32, #tpu.memory_space<vmem>>
          %dma_wait3A_378 = arith.constant 0 : i32
          %dma_wait3A_379 = arith.constant 0 : i32
          %dma_wait3A_380 = arith.constant 0 : i32
          %dma_wait3A_381 = tpu.memref_slice %arg4[%dma_wait3A_373, %dma_wait3A_378, %add3A, %dma_wait3A_379, %dma_wait3A_380] : memref<200x8x32x8x128xf32, #tpu.memory_space<hbm>> -> memref<1x8x1x8x128xf32, #tpu.memory_space<hbm>>
          %dma_wait3A_382 = tpu.memref_squeeze %dma_wait3A_381 : memref<1x8x1x8x128xf32, #tpu.memory_space<hbm>> -> memref<8x8x128xf32, #tpu.memory_space<hbm>>
          %dma_wait3A_383 = arith.constant 0 : i32
          %dma_wait3A_384 = arith.constant 0 : i32
          %dma_wait3A_385 = arith.constant 0 : i32
          %dma_wait3A_386 = tpu.memref_slice %arg4[%dma_wait3A_373, %dma_wait3A_383, %add3A, %dma_wait3A_384, %dma_wait3A_385] : memref<200x8x32x8x128xf32, #tpu.memory_space<hbm>> -> memref<1x8x1x8x128xf32, #tpu.memory_space<hbm>>
          %dma_wait3A_387 = tpu.memref_squeeze %dma_wait3A_386 : memref<1x8x1x8x128xf32, #tpu.memory_space<hbm>> -> memref<8x8x128xf32, #tpu.memory_space<hbm>>
          %dma_wait3A_388 = arith.constant 0 : i32
          %dma_wait3A_389 = arith.constant 0 : i32
          %dma_wait3A_390 = arith.constant 0 : i32
          %dma_wait3A_391 = tpu.memref_slice %arg9[%dma_wait3A_388, %dma_wait3A_389, %dma_wait3A_390] : memref<8x8x129xf32, #tpu.memory_space<vmem>> -> memref<8x8x128xf32, #tpu.memory_space<vmem>>
          tpu.wait_dma2 semaphore(%arg13 : memref<!tpu.dma_semaphore, #tpu.memory_space<semaphore_mem>>) src(%dma_wait3A_391 : memref<8x8x128xf32, #tpu.memory_space<vmem>>) dst(%dma_wait3A_387 : memref<8x8x128xf32, #tpu.memory_space<hbm>>)
        } else {
        }
        %add3A_365 = arith.constant 1 : i32
        %add3A_366 = arith.addi %add3A_284, %add3A_365 : i32
        %dma_start3A_367 = arith.constant 0 : i32
        %dma_start3A_368 = tpu.memref_slice %arg5[%add3A_366, %dma_start3A_367] : memref<200x128xi32, #tpu.memory_space<vmem>> -> memref<1x128xi32, #tpu.memory_space<vmem>>
        %dma_start3A_369 = tpu.memref_squeeze %dma_start3A_368 : memref<1x128xi32, #tpu.memory_space<vmem>> -> memref<128xi32, #tpu.memory_space<vmem>>
        %dma_start3A_370 = arith.constant 0 : i32
        %dma_start3A_371 = arith.constant 0 : i32
        %dma_start3A_372 = tpu.memref_slice %arg3[%dma_start3A_370, %dma_start3A_371] : memref<1000000x64xf32, #tpu.memory_space<hbm>> -> memref<1000000x64xf32, #tpu.memory_space<hbm>>
        tpu.enqueue_indirect_dma source(%dma_start3A_372 : memref<1000000x64xf32, #tpu.memory_space<hbm>>) target(%arg7 : memref<128x64xf32, #tpu.memory_space<vmem>>) offsets(%dma_start3A_369 : memref<128xi32, #tpu.memory_space<vmem>>) semaphore(%arg11 : memref<!tpu.dma_semaphore, #tpu.memory_space<semaphore_mem>>)
      } else {
      }
      %dma_wait3A_290 = arith.constant 0 : i32
      %dma_wait3A_291 = arith.constant 0 : i32
      %dma_wait3A_292 = tpu.memref_slice %arg5[%dma_wait3A_290, %dma_wait3A_291] : memref<200x128xi32, #tpu.memory_space<vmem>> -> memref<1x128xi32, #tpu.memory_space<vmem>>
      %dma_wait3A_293 = tpu.memref_squeeze %dma_wait3A_292 : memref<1x128xi32, #tpu.memory_space<vmem>> -> memref<128xi32, #tpu.memory_space<vmem>>
      %dma_wait3A_294 = arith.constant 0 : i32
      %dma_wait3A_295 = arith.constant 0 : i32
      %dma_wait3A_296 = tpu.memref_slice %arg3[%dma_wait3A_294, %dma_wait3A_295] : memref<1000000x64xf32, #tpu.memory_space<hbm>> -> memref<1000000x64xf32, #tpu.memory_space<hbm>>
      tpu.wait_indirect_dma semaphore(%arg10 : memref<!tpu.dma_semaphore, #tpu.memory_space<semaphore_mem>>) src(%dma_wait3A_296 : memref<1000000x64xf32, #tpu.memory_space<hbm>>) dst(%arg6 : memref<128x64xf32, #tpu.memory_space<vmem>>)
      %scan3A_297 = arith.constant 0 : i32
      %scan3A_298 = arith.constant 128 : i32
      %scan3A_299 = arith.addi %scan3A_297, %scan3A_298 : i32
      %scan3A_300 = arith.constant 8 : i32
      scf.for %scan3A_361 = %scan3A_297 to %scan3A_299 step %scan3A_300  : i32 {
        %mul3A_362 = arith.constant 1 : i32
        %mul3A_363 = arith.muli %scan3A_361, %mul3A_362 : i32
        %add3A_364 = arith.constant 0 : i32
        %add3A_365 = arith.addi %add3A_364, %mul3A_363 : i32
        %broadcast_in_dim3A = arith.constant 0 : i32
        %broadcast_in_dim3A_366 = vector.broadcast %broadcast_in_dim3A : i32 to vector<16xi32>
        %add3A_367 = vector.broadcast %add3A_365 : i32 to vector<16xi32>
        %add3A_368 = arith.addi %broadcast_in_dim3A_366, %add3A_367 : vector<16xi32>
        %get3A = arith.index_cast %add3A_365 : i32 to index
        %get3A_369 = arith.constant 0 : index
        %get3A_370 = tpu.vector_load %arg6[%get3A, %get3A_369] {strides = array<i32>} : memref<128x64xf32, #tpu.memory_space<vmem>>, vector<16xf32>,
        %mul3A_371 = arith.constant 8.000000e+00 : f32
        %mul3A_372 = vector.broadcast %mul3A_371 : f32 to vector<16xf32>
        %mul3A_373 = arith.mulf %get3A_370, %mul3A_372 : vector<16xf32>
        tpu.vector_store_idx %arg8[%select_n3A, %select_n3A_153, %add3A_368], %mul3A_373 : memref<8x8x129xf32, #tpu.memory_space<vmem>>[vector<16xi32>, vector<16xi32>, vector<16xi32>], vector<16xf32>,
        %get3A_374 = arith.index_cast %add3A_365 : i32 to index
        %get3A_375 = arith.constant 16 : index
        %get3A_376 = tpu.vector_load %arg6[%get3A_374, %get3A_375] {strides = array<i32>} : memref<128x64xf32, #tpu.memory_space<vmem>>, vector<16xf32>,
        %mul3A_377 = arith.constant 8.000000e+00 : f32
        %mul3A_378 = vector.broadcast %mul3A_377 : f32 to vector<16xf32>
        %mul3A_379 = arith.mulf %get3A_376, %mul3A_378 : vector<16xf32>
        tpu.vector_store_idx %arg8[%select_n3A_62, %select_n3A_178, %add3A_368], %mul3A_379 : memref<8x8x129xf32, #tpu.memory_space<vmem>>[vector<16xi32>, vector<16xi32>, vector<16xi32>], vector<16xf32>,
        %get3A_380 = arith.index_cast %add3A_365 : i32 to index
        %get3A_381 = arith.constant 32 : index
        %get3A_382 = tpu.vector_load %arg6[%get3A_380, %get3A_381] {strides = array<i32>} : memref<128x64xf32, #tpu.memory_space<vmem>>, vector<16xf32>,
        %mul3A_383 = arith.constant 8.000000e+00 : f32
        %mul3A_384 = vector.broadcast %mul3A_383 : f32 to vector<16xf32>
        %mul3A_385 = arith.mulf %get3A_382, %mul3A_384 : vector<16xf32>
        tpu.vector_store_idx %arg8[%select_n3A_96, %select_n3A_203, %add3A_368], %mul3A_385 : memref<8x8x129xf32, #tpu.memory_space<vmem>>[vector<16xi32>, vector<16xi32>, vector<16xi32>], vector<16xf32>,
        %get3A_386 = arith.index_cast %add3A_365 : i32 to index
        %get3A_387 = arith.constant 48 : index
        %get3A_388 = tpu.vector_load %arg6[%get3A_386, %get3A_387] {strides = array<i32>} : memref<128x64xf32, #tpu.memory_space<vmem>>, vector<16xf32>,
        %mul3A_389 = arith.constant 8.000000e+00 : f32
        %mul3A_390 = vector.broadcast %mul3A_389 : f32 to vector<16xf32>
        %mul3A_391 = arith.mulf %get3A_388, %mul3A_390 : vector<16xf32>
        tpu.vector_store_idx %arg8[%select_n3A_130, %select_n3A_228, %add3A_368], %mul3A_391 : memref<8x8x129xf32, #tpu.memory_space<vmem>>[vector<16xi32>, vector<16xi32>, vector<16xi32>], vector<16xf32>,
        %scan3A_392 = arith.constant 1 : i32
        %scan3A_393 = arith.addi %scan3A_361, %scan3A_392 : i32
        %mul3A_394 = arith.constant 1 : i32
        %mul3A_395 = arith.muli %scan3A_393, %mul3A_394 : i32
        %add3A_396 = arith.constant 0 : i32
        %add3A_397 = arith.addi %add3A_396, %mul3A_395 : i32
        %broadcast_in_dim3A_398 = arith.constant 0 : i32
        %broadcast_in_dim3A_399 = vector.broadcast %broadcast_in_dim3A_398 : i32 to vector<16xi32>
        %add3A_400 = vector.broadcast %add3A_397 : i32 to vector<16xi32>
        %add3A_401 = arith.addi %broadcast_in_dim3A_399, %add3A_400 : vector<16xi32>
        %get3A_402 = arith.index_cast %add3A_397 : i32 to index
        %get3A_403 = arith.constant 0 : index
        %get3A_404 = tpu.vector_load %arg6[%get3A_402, %get3A_403] {strides = array<i32>} : memref<128x64xf32, #tpu.memory_space<vmem>>, vector<16xf32>,
        %mul3A_405 = arith.constant 8.000000e+00 : f32
        %mul3A_406 = vector.broadcast %mul3A_405 : f32 to vector<16xf32>
        %mul3A_407 = arith.mulf %get3A_404, %mul3A_406 : vector<16xf32>
        tpu.vector_store_idx %arg8[%select_n3A, %select_n3A_153, %add3A_401], %mul3A_407 : memref<8x8x129xf32, #tpu.memory_space<vmem>>[vector<16xi32>, vector<16xi32>, vector<16xi32>], vector<16xf32>,
        %get3A_408 = arith.index_cast %add3A_397 : i32 to index
        %get3A_409 = arith.constant 16 : index
        %get3A_410 = tpu.vector_load %arg6[%get3A_408, %get3A_409] {strides = array<i32>} : memref<128x64xf32, #tpu.memory_space<vmem>>, vector<16xf32>,
        %mul3A_411 = arith.constant 8.000000e+00 : f32
        %mul3A_412 = vector.broadcast %mul3A_411 : f32 to vector<16xf32>
        %mul3A_413 = arith.mulf %get3A_410, %mul3A_412 : vector<16xf32>
        tpu.vector_store_idx %arg8[%select_n3A_62, %select_n3A_178, %add3A_401], %mul3A_413 : memref<8x8x129xf32, #tpu.memory_space<vmem>>[vector<16xi32>, vector<16xi32>, vector<16xi32>], vector<16xf32>,
        %get3A_414 = arith.index_cast %add3A_397 : i32 to index
        %get3A_415 = arith.constant 32 : index
        %get3A_416 = tpu.vector_load %arg6[%get3A_414, %get3A_415] {strides = array<i32>} : memref<128x64xf32, #tpu.memory_space<vmem>>, vector<16xf32>,
        %mul3A_417 = arith.constant 8.000000e+00 : f32
        %mul3A_418 = vector.broadcast %mul3A_417 : f32 to vector<16xf32>
        %mul3A_419 = arith.mulf %get3A_416, %mul3A_418 : vector<16xf32>
        tpu.vector_store_idx %arg8[%select_n3A_96, %select_n3A_203, %add3A_401], %mul3A_419 : memref<8x8x129xf32, #tpu.memory_space<vmem>>[vector<16xi32>, vector<16xi32>, vector<16xi32>], vector<16xf32>,
        %get3A_420 = arith.index_cast %add3A_397 : i32 to index
        %get3A_421 = arith.constant 48 : index
        %get3A_422 = tpu.vector_load %arg6[%get3A_420, %get3A_421] {strides = array<i32>} : memref<128x64xf32, #tpu.memory_space<vmem>>, vector<16xf32>,
        %mul3A_423 = arith.constant 8.000000e+00 : f32
        %mul3A_424 = vector.broadcast %mul3A_423 : f32 to vector<16xf32>
        %mul3A_425 = arith.mulf %get3A_422, %mul3A_424 : vector<16xf32>
        tpu.vector_store_idx %arg8[%select_n3A_130, %select_n3A_228, %add3A_401], %mul3A_425 : memref<8x8x129xf32, #tpu.memory_space<vmem>>[vector<16xi32>, vector<16xi32>, vector<16xi32>], vector<16xf32>,
        %scan3A_426 = arith.constant 2 : i32
        %scan3A_427 = arith.addi %scan3A_361, %scan3A_426 : i32
        %mul3A_428 = arith.constant 1 : i32
        %mul3A_429 = arith.muli %scan3A_427, %mul3A_428 : i32
        %add3A_430 = arith.constant 0 : i32
        %add3A_431 = arith.addi %add3A_430, %mul3A_429 : i32
        %broadcast_in_dim3A_432 = arith.constant 0 : i32
        %broadcast_in_dim3A_433 = vector.broadcast %broadcast_in_dim3A_432 : i32 to vector<16xi32>
        %add3A_434 = vector.broadcast %add3A_431 : i32 to vector<16xi32>
        %add3A_435 = arith.addi %broadcast_in_dim3A_433, %add3A_434 : vector<16xi32>
        %get3A_436 = arith.index_cast %add3A_431 : i32 to index
        %get3A_437 = arith.constant 0 : index
        %get3A_438 = tpu.vector_load %arg6[%get3A_436, %get3A_437] {strides = array<i32>} : memref<128x64xf32, #tpu.memory_space<vmem>>, vector<16xf32>,
        %mul3A_439 = arith.constant 8.000000e+00 : f32
        %mul3A_440 = vector.broadcast %mul3A_439 : f32 to vector<16xf32>
        %mul3A_441 = arith.mulf %get3A_438, %mul3A_440 : vector<16xf32>
        tpu.vector_store_idx %arg8[%select_n3A, %select_n3A_153, %add3A_435], %mul3A_441 : memref<8x8x129xf32, #tpu.memory_space<vmem>>[vector<16xi32>, vector<16xi32>, vector<16xi32>], vector<16xf32>,
        %get3A_442 = arith.index_cast %add3A_431 : i32 to index
        %get3A_443 = arith.constant 16 : index
        %get3A_444 = tpu.vector_load %arg6[%get3A_442, %get3A_443] {strides = array<i32>} : memref<128x64xf32, #tpu.memory_space<vmem>>, vector<16xf32>,
        %mul3A_445 = arith.constant 8.000000e+00 : f32
        %mul3A_446 = vector.broadcast %mul3A_445 : f32 to vector<16xf32>
        %mul3A_447 = arith.mulf %get3A_444, %mul3A_446 : vector<16xf32>
        tpu.vector_store_idx %arg8[%select_n3A_62, %select_n3A_178, %add3A_435], %mul3A_447 : memref<8x8x129xf32, #tpu.memory_space<vmem>>[vector<16xi32>, vector<16xi32>, vector<16xi32>], vector<16xf32>,
        %get3A_448 = arith.index_cast %add3A_431 : i32 to index
        %get3A_449 = arith.constant 32 : index
        %get3A_450 = tpu.vector_load %arg6[%get3A_448, %get3A_449] {strides = array<i32>} : memref<128x64xf32, #tpu.memory_space<vmem>>, vector<16xf32>,
        %mul3A_451 = arith.constant 8.000000e+00 : f32
        %mul3A_452 = vector.broadcast %mul3A_451 : f32 to vector<16xf32>
        %mul3A_453 = arith.mulf %get3A_450, %mul3A_452 : vector<16xf32>
        tpu.vector_store_idx %arg8[%select_n3A_96, %select_n3A_203, %add3A_435], %mul3A_453 : memref<8x8x129xf32, #tpu.memory_space<vmem>>[vector<16xi32>, vector<16xi32>, vector<16xi32>], vector<16xf32>,
        %get3A_454 = arith.index_cast %add3A_431 : i32 to index
        %get3A_455 = arith.constant 48 : index
        %get3A_456 = tpu.vector_load %arg6[%get3A_454, %get3A_455] {strides = array<i32>} : memref<128x64xf32, #tpu.memory_space<vmem>>, vector<16xf32>,
        %mul3A_457 = arith.constant 8.000000e+00 : f32
        %mul3A_458 = vector.broadcast %mul3A_457 : f32 to vector<16xf32>
        %mul3A_459 = arith.mulf %get3A_456, %mul3A_458 : vector<16xf32>
        tpu.vector_store_idx %arg8[%select_n3A_130, %select_n3A_228, %add3A_435], %mul3A_459 : memref<8x8x129xf32, #tpu.memory_space<vmem>>[vector<16xi32>, vector<16xi32>, vector<16xi32>], vector<16xf32>,
        %scan3A_460 = arith.constant 3 : i32
        %scan3A_461 = arith.addi %scan3A_361, %scan3A_460 : i32
        %mul3A_462 = arith.constant 1 : i32
        %mul3A_463 = arith.muli %scan3A_461, %mul3A_462 : i32
        %add3A_464 = arith.constant 0 : i32
        %add3A_465 = arith.addi %add3A_464, %mul3A_463 : i32
        %broadcast_in_dim3A_466 = arith.constant 0 : i32
        %broadcast_in_dim3A_467 = vector.broadcast %broadcast_in_dim3A_466 : i32 to vector<16xi32>
        %add3A_468 = vector.broadcast %add3A_465 : i32 to vector<16xi32>
        %add3A_469 = arith.addi %broadcast_in_dim3A_467, %add3A_468 : vector<16xi32>
        %get3A_470 = arith.index_cast %add3A_465 : i32 to index
        %get3A_471 = arith.constant 0 : index
        %get3A_472 = tpu.vector_load %arg6[%get3A_470, %get3A_471] {strides = array<i32>} : memref<128x64xf32, #tpu.memory_space<vmem>>, vector<16xf32>,
        %mul3A_473 = arith.constant 8.000000e+00 : f32
        %mul3A_474 = vector.broadcast %mul3A_473 : f32 to vector<16xf32>
        %mul3A_475 = arith.mulf %get3A_472, %mul3A_474 : vector<16xf32>
        tpu.vector_store_idx %arg8[%select_n3A, %select_n3A_153, %add3A_469], %mul3A_475 : memref<8x8x129xf32, #tpu.memory_space<vmem>>[vector<16xi32>, vector<16xi32>, vector<16xi32>], vector<16xf32>,
        %get3A_476 = arith.index_cast %add3A_465 : i32 to index
        %get3A_477 = arith.constant 16 : index
        %get3A_478 = tpu.vector_load %arg6[%get3A_476, %get3A_477] {strides = array<i32>} : memref<128x64xf32, #tpu.memory_space<vmem>>, vector<16xf32>,
        %mul3A_479 = arith.constant 8.000000e+00 : f32
        %mul3A_480 = vector.broadcast %mul3A_479 : f32 to vector<16xf32>
        %mul3A_481 = arith.mulf %get3A_478, %mul3A_480 : vector<16xf32>
        tpu.vector_store_idx %arg8[%select_n3A_62, %select_n3A_178, %add3A_469], %mul3A_481 : memref<8x8x129xf32, #tpu.memory_space<vmem>>[vector<16xi32>, vector<16xi32>, vector<16xi32>], vector<16xf32>,
        %get3A_482 = arith.index_cast %add3A_465 : i32 to index
        %get3A_483 = arith.constant 32 : index
        %get3A_484 = tpu.vector_load %arg6[%get3A_482, %get3A_483] {strides = array<i32>} : memref<128x64xf32, #tpu.memory_space<vmem>>, vector<16xf32>,
        %mul3A_485 = arith.constant 8.000000e+00 : f32
        %mul3A_486 = vector.broadcast %mul3A_485 : f32 to vector<16xf32>
        %mul3A_487 = arith.mulf %get3A_484, %mul3A_486 : vector<16xf32>
        tpu.vector_store_idx %arg8[%select_n3A_96, %select_n3A_203, %add3A_469], %mul3A_487 : memref<8x8x129xf32, #tpu.memory_space<vmem>>[vector<16xi32>, vector<16xi32>, vector<16xi32>], vector<16xf32>,
        %get3A_488 = arith.index_cast %add3A_465 : i32 to index
        %get3A_489 = arith.constant 48 : index
        %get3A_490 = tpu.vector_load %arg6[%get3A_488, %get3A_489] {strides = array<i32>} : memref<128x64xf32, #tpu.memory_space<vmem>>, vector<16xf32>,
        %mul3A_491 = arith.constant 8.000000e+00 : f32
        %mul3A_492 = vector.broadcast %mul3A_491 : f32 to vector<16xf32>
        %mul3A_493 = arith.mulf %get3A_490, %mul3A_492 : vector<16xf32>
        tpu.vector_store_idx %arg8[%select_n3A_130, %select_n3A_228, %add3A_469], %mul3A_493 : memref<8x8x129xf32, #tpu.memory_space<vmem>>[vector<16xi32>, vector<16xi32>, vector<16xi32>], vector<16xf32>,
        %scan3A_494 = arith.constant 4 : i32
        %scan3A_495 = arith.addi %scan3A_361, %scan3A_494 : i32
        %mul3A_496 = arith.constant 1 : i32
        %mul3A_497 = arith.muli %scan3A_495, %mul3A_496 : i32
        %add3A_498 = arith.constant 0 : i32
        %add3A_499 = arith.addi %add3A_498, %mul3A_497 : i32
        %broadcast_in_dim3A_500 = arith.constant 0 : i32
        %broadcast_in_dim3A_501 = vector.broadcast %broadcast_in_dim3A_500 : i32 to vector<16xi32>
        %add3A_502 = vector.broadcast %add3A_499 : i32 to vector<16xi32>
        %add3A_503 = arith.addi %broadcast_in_dim3A_501, %add3A_502 : vector<16xi32>
        %get3A_504 = arith.index_cast %add3A_499 : i32 to index
        %get3A_505 = arith.constant 0 : index
        %get3A_506 = tpu.vector_load %arg6[%get3A_504, %get3A_505] {strides = array<i32>} : memref<128x64xf32, #tpu.memory_space<vmem>>, vector<16xf32>,
        %mul3A_507 = arith.constant 8.000000e+00 : f32
        %mul3A_508 = vector.broadcast %mul3A_507 : f32 to vector<16xf32>
        %mul3A_509 = arith.mulf %get3A_506, %mul3A_508 : vector<16xf32>
        tpu.vector_store_idx %arg8[%select_n3A, %select_n3A_153, %add3A_503], %mul3A_509 : memref<8x8x129xf32, #tpu.memory_space<vmem>>[vector<16xi32>, vector<16xi32>, vector<16xi32>], vector<16xf32>,
        %get3A_510 = arith.index_cast %add3A_499 : i32 to index
        %get3A_511 = arith.constant 16 : index
        %get3A_512 = tpu.vector_load %arg6[%get3A_510, %get3A_511] {strides = array<i32>} : memref<128x64xf32, #tpu.memory_space<vmem>>, vector<16xf32>,
        %mul3A_513 = arith.constant 8.000000e+00 : f32
        %mul3A_514 = vector.broadcast %mul3A_513 : f32 to vector<16xf32>
        %mul3A_515 = arith.mulf %get3A_512, %mul3A_514 : vector<16xf32>
        tpu.vector_store_idx %arg8[%select_n3A_62, %select_n3A_178, %add3A_503], %mul3A_515 : memref<8x8x129xf32, #tpu.memory_space<vmem>>[vector<16xi32>, vector<16xi32>, vector<16xi32>], vector<16xf32>,
        %get3A_516 = arith.index_cast %add3A_499 : i32 to index
        %get3A_517 = arith.constant 32 : index
        %get3A_518 = tpu.vector_load %arg6[%get3A_516, %get3A_517] {strides = array<i32>} : memref<128x64xf32, #tpu.memory_space<vmem>>, vector<16xf32>,
        %mul3A_519 = arith.constant 8.000000e+00 : f32
        %mul3A_520 = vector.broadcast %mul3A_519 : f32 to vector<16xf32>
        %mul3A_521 = arith.mulf %get3A_518, %mul3A_520 : vector<16xf32>
        tpu.vector_store_idx %arg8[%select_n3A_96, %select_n3A_203, %add3A_503], %mul3A_521 : memref<8x8x129xf32, #tpu.memory_space<vmem>>[vector<16xi32>, vector<16xi32>, vector<16xi32>], vector<16xf32>,
        %get3A_522 = arith.index_cast %add3A_499 : i32 to index
        %get3A_523 = arith.constant 48 : index
        %get3A_524 = tpu.vector_load %arg6[%get3A_522, %get3A_523] {strides = array<i32>} : memref<128x64xf32, #tpu.memory_space<vmem>>, vector<16xf32>,
        %mul3A_525 = arith.constant 8.000000e+00 : f32
        %mul3A_526 = vector.broadcast %mul3A_525 : f32 to vector<16xf32>
        %mul3A_527 = arith.mulf %get3A_524, %mul3A_526 : vector<16xf32>
        tpu.vector_store_idx %arg8[%select_n3A_130, %select_n3A_228, %add3A_503], %mul3A_527 : memref<8x8x129xf32, #tpu.memory_space<vmem>>[vector<16xi32>, vector<16xi32>, vector<16xi32>], vector<16xf32>,
        %scan3A_528 = arith.constant 5 : i32
        %scan3A_529 = arith.addi %scan3A_361, %scan3A_528 : i32
        %mul3A_530 = arith.constant 1 : i32
        %mul3A_531 = arith.muli %scan3A_529, %mul3A_530 : i32
        %add3A_532 = arith.constant 0 : i32
        %add3A_533 = arith.addi %add3A_532, %mul3A_531 : i32
        %broadcast_in_dim3A_534 = arith.constant 0 : i32
        %broadcast_in_dim3A_535 = vector.broadcast %broadcast_in_dim3A_534 : i32 to vector<16xi32>
        %add3A_536 = vector.broadcast %add3A_533 : i32 to vector<16xi32>
        %add3A_537 = arith.addi %broadcast_in_dim3A_535, %add3A_536 : vector<16xi32>
        %get3A_538 = arith.index_cast %add3A_533 : i32 to index
        %get3A_539 = arith.constant 0 : index
        %get3A_540 = tpu.vector_load %arg6[%get3A_538, %get3A_539] {strides = array<i32>} : memref<128x64xf32, #tpu.memory_space<vmem>>, vector<16xf32>,
        %mul3A_541 = arith.constant 8.000000e+00 : f32
        %mul3A_542 = vector.broadcast %mul3A_541 : f32 to vector<16xf32>
        %mul3A_543 = arith.mulf %get3A_540, %mul3A_542 : vector<16xf32>
        tpu.vector_store_idx %arg8[%select_n3A, %select_n3A_153, %add3A_537], %mul3A_543 : memref<8x8x129xf32, #tpu.memory_space<vmem>>[vector<16xi32>, vector<16xi32>, vector<16xi32>], vector<16xf32>,
        %get3A_544 = arith.index_cast %add3A_533 : i32 to index
        %get3A_545 = arith.constant 16 : index
        %get3A_546 = tpu.vector_load %arg6[%get3A_544, %get3A_545] {strides = array<i32>} : memref<128x64xf32, #tpu.memory_space<vmem>>, vector<16xf32>,
        %mul3A_547 = arith.constant 8.000000e+00 : f32
        %mul3A_548 = vector.broadcast %mul3A_547 : f32 to vector<16xf32>
        %mul3A_549 = arith.mulf %get3A_546, %mul3A_548 : vector<16xf32>
        tpu.vector_store_idx %arg8[%select_n3A_62, %select_n3A_178, %add3A_537], %mul3A_549 : memref<8x8x129xf32, #tpu.memory_space<vmem>>[vector<16xi32>, vector<16xi32>, vector<16xi32>], vector<16xf32>,
        %get3A_550 = arith.index_cast %add3A_533 : i32 to index
        %get3A_551 = arith.constant 32 : index
        %get3A_552 = tpu.vector_load %arg6[%get3A_550, %get3A_551] {strides = array<i32>} : memref<128x64xf32, #tpu.memory_space<vmem>>, vector<16xf32>,
        %mul3A_553 = arith.constant 8.000000e+00 : f32
        %mul3A_554 = vector.broadcast %mul3A_553 : f32 to vector<16xf32>
        %mul3A_555 = arith.mulf %get3A_552, %mul3A_554 : vector<16xf32>
        tpu.vector_store_idx %arg8[%select_n3A_96, %select_n3A_203, %add3A_537], %mul3A_555 : memref<8x8x129xf32, #tpu.memory_space<vmem>>[vector<16xi32>, vector<16xi32>, vector<16xi32>], vector<16xf32>,
        %get3A_556 = arith.index_cast %add3A_533 : i32 to index
        %get3A_557 = arith.constant 48 : index
        %get3A_558 = tpu.vector_load %arg6[%get3A_556, %get3A_557] {strides = array<i32>} : memref<128x64xf32, #tpu.memory_space<vmem>>, vector<16xf32>,
        %mul3A_559 = arith.constant 8.000000e+00 : f32
        %mul3A_560 = vector.broadcast %mul3A_559 : f32 to vector<16xf32>
        %mul3A_561 = arith.mulf %get3A_558, %mul3A_560 : vector<16xf32>
        tpu.vector_store_idx %arg8[%select_n3A_130, %select_n3A_228, %add3A_537], %mul3A_561 : memref<8x8x129xf32, #tpu.memory_space<vmem>>[vector<16xi32>, vector<16xi32>, vector<16xi32>], vector<16xf32>,
        %scan3A_562 = arith.constant 6 : i32
        %scan3A_563 = arith.addi %scan3A_361, %scan3A_562 : i32
        %mul3A_564 = arith.constant 1 : i32
        %mul3A_565 = arith.muli %scan3A_563, %mul3A_564 : i32
        %add3A_566 = arith.constant 0 : i32
        %add3A_567 = arith.addi %add3A_566, %mul3A_565 : i32
        %broadcast_in_dim3A_568 = arith.constant 0 : i32
        %broadcast_in_dim3A_569 = vector.broadcast %broadcast_in_dim3A_568 : i32 to vector<16xi32>
        %add3A_570 = vector.broadcast %add3A_567 : i32 to vector<16xi32>
        %add3A_571 = arith.addi %broadcast_in_dim3A_569, %add3A_570 : vector<16xi32>
        %get3A_572 = arith.index_cast %add3A_567 : i32 to index
        %get3A_573 = arith.constant 0 : index
        %get3A_574 = tpu.vector_load %arg6[%get3A_572, %get3A_573] {strides = array<i32>} : memref<128x64xf32, #tpu.memory_space<vmem>>, vector<16xf32>,
        %mul3A_575 = arith.constant 8.000000e+00 : f32
        %mul3A_576 = vector.broadcast %mul3A_575 : f32 to vector<16xf32>
        %mul3A_577 = arith.mulf %get3A_574, %mul3A_576 : vector<16xf32>
        tpu.vector_store_idx %arg8[%select_n3A, %select_n3A_153, %add3A_571], %mul3A_577 : memref<8x8x129xf32, #tpu.memory_space<vmem>>[vector<16xi32>, vector<16xi32>, vector<16xi32>], vector<16xf32>,
        %get3A_578 = arith.index_cast %add3A_567 : i32 to index
        %get3A_579 = arith.constant 16 : index
        %get3A_580 = tpu.vector_load %arg6[%get3A_578, %get3A_579] {strides = array<i32>} : memref<128x64xf32, #tpu.memory_space<vmem>>, vector<16xf32>,
        %mul3A_581 = arith.constant 8.000000e+00 : f32
        %mul3A_582 = vector.broadcast %mul3A_581 : f32 to vector<16xf32>
        %mul3A_583 = arith.mulf %get3A_580, %mul3A_582 : vector<16xf32>
        tpu.vector_store_idx %arg8[%select_n3A_62, %select_n3A_178, %add3A_571], %mul3A_583 : memref<8x8x129xf32, #tpu.memory_space<vmem>>[vector<16xi32>, vector<16xi32>, vector<16xi32>], vector<16xf32>,
        %get3A_584 = arith.index_cast %add3A_567 : i32 to index
        %get3A_585 = arith.constant 32 : index
        %get3A_586 = tpu.vector_load %arg6[%get3A_584, %get3A_585] {strides = array<i32>} : memref<128x64xf32, #tpu.memory_space<vmem>>, vector<16xf32>,
        %mul3A_587 = arith.constant 8.000000e+00 : f32
        %mul3A_588 = vector.broadcast %mul3A_587 : f32 to vector<16xf32>
        %mul3A_589 = arith.mulf %get3A_586, %mul3A_588 : vector<16xf32>
        tpu.vector_store_idx %arg8[%select_n3A_96, %select_n3A_203, %add3A_571], %mul3A_589 : memref<8x8x129xf32, #tpu.memory_space<vmem>>[vector<16xi32>, vector<16xi32>, vector<16xi32>], vector<16xf32>,
        %get3A_590 = arith.index_cast %add3A_567 : i32 to index
        %get3A_591 = arith.constant 48 : index
        %get3A_592 = tpu.vector_load %arg6[%get3A_590, %get3A_591] {strides = array<i32>} : memref<128x64xf32, #tpu.memory_space<vmem>>, vector<16xf32>,
        %mul3A_593 = arith.constant 8.000000e+00 : f32
        %mul3A_594 = vector.broadcast %mul3A_593 : f32 to vector<16xf32>
        %mul3A_595 = arith.mulf %get3A_592, %mul3A_594 : vector<16xf32>
        tpu.vector_store_idx %arg8[%select_n3A_130, %select_n3A_228, %add3A_571], %mul3A_595 : memref<8x8x129xf32, #tpu.memory_space<vmem>>[vector<16xi32>, vector<16xi32>, vector<16xi32>], vector<16xf32>,
        %scan3A_596 = arith.constant 7 : i32
        %scan3A_597 = arith.addi %scan3A_361, %scan3A_596 : i32
        %mul3A_598 = arith.constant 1 : i32
        %mul3A_599 = arith.muli %scan3A_597, %mul3A_598 : i32
        %add3A_600 = arith.constant 0 : i32
        %add3A_601 = arith.addi %add3A_600, %mul3A_599 : i32
        %broadcast_in_dim3A_602 = arith.constant 0 : i32
        %broadcast_in_dim3A_603 = vector.broadcast %broadcast_in_dim3A_602 : i32 to vector<16xi32>
        %add3A_604 = vector.broadcast %add3A_601 : i32 to vector<16xi32>
        %add3A_605 = arith.addi %broadcast_in_dim3A_603, %add3A_604 : vector<16xi32>
        %get3A_606 = arith.index_cast %add3A_601 : i32 to index
        %get3A_607 = arith.constant 0 : index
        %get3A_608 = tpu.vector_load %arg6[%get3A_606, %get3A_607] {strides = array<i32>} : memref<128x64xf32, #tpu.memory_space<vmem>>, vector<16xf32>,
        %mul3A_609 = arith.constant 8.000000e+00 : f32
        %mul3A_610 = vector.broadcast %mul3A_609 : f32 to vector<16xf32>
        %mul3A_611 = arith.mulf %get3A_608, %mul3A_610 : vector<16xf32>
        tpu.vector_store_idx %arg8[%select_n3A, %select_n3A_153, %add3A_605], %mul3A_611 : memref<8x8x129xf32, #tpu.memory_space<vmem>>[vector<16xi32>, vector<16xi32>, vector<16xi32>], vector<16xf32>,
        %get3A_612 = arith.index_cast %add3A_601 : i32 to index
        %get3A_613 = arith.constant 16 : index
        %get3A_614 = tpu.vector_load %arg6[%get3A_612, %get3A_613] {strides = array<i32>} : memref<128x64xf32, #tpu.memory_space<vmem>>, vector<16xf32>,
        %mul3A_615 = arith.constant 8.000000e+00 : f32
        %mul3A_616 = vector.broadcast %mul3A_615 : f32 to vector<16xf32>
        %mul3A_617 = arith.mulf %get3A_614, %mul3A_616 : vector<16xf32>
        tpu.vector_store_idx %arg8[%select_n3A_62, %select_n3A_178, %add3A_605], %mul3A_617 : memref<8x8x129xf32, #tpu.memory_space<vmem>>[vector<16xi32>, vector<16xi32>, vector<16xi32>], vector<16xf32>,
        %get3A_618 = arith.index_cast %add3A_601 : i32 to index
        %get3A_619 = arith.constant 32 : index
        %get3A_620 = tpu.vector_load %arg6[%get3A_618, %get3A_619] {strides = array<i32>} : memref<128x64xf32, #tpu.memory_space<vmem>>, vector<16xf32>,
        %mul3A_621 = arith.constant 8.000000e+00 : f32
        %mul3A_622 = vector.broadcast %mul3A_621 : f32 to vector<16xf32>
        %mul3A_623 = arith.mulf %get3A_620, %mul3A_622 : vector<16xf32>
        tpu.vector_store_idx %arg8[%select_n3A_96, %select_n3A_203, %add3A_605], %mul3A_623 : memref<8x8x129xf32, #tpu.memory_space<vmem>>[vector<16xi32>, vector<16xi32>, vector<16xi32>], vector<16xf32>,
        %get3A_624 = arith.index_cast %add3A_601 : i32 to index
        %get3A_625 = arith.constant 48 : index
        %get3A_626 = tpu.vector_load %arg6[%get3A_624, %get3A_625] {strides = array<i32>} : memref<128x64xf32, #tpu.memory_space<vmem>>, vector<16xf32>,
        %mul3A_627 = arith.constant 8.000000e+00 : f32
        %mul3A_628 = vector.broadcast %mul3A_627 : f32 to vector<16xf32>
        %mul3A_629 = arith.mulf %get3A_626, %mul3A_628 : vector<16xf32>
        tpu.vector_store_idx %arg8[%select_n3A_130, %select_n3A_228, %add3A_605], %mul3A_629 : memref<8x8x129xf32, #tpu.memory_space<vmem>>[vector<16xi32>, vector<16xi32>, vector<16xi32>], vector<16xf32>,
      }
      %scan3A_301 = arith.constant 128 : i32
      %dma_start3A_302 = arith.constant 0 : i32
      %dma_start3A_303 = arith.constant 0 : i32
      %dma_start3A_304 = arith.constant 0 : i32
      %dma_start3A_305 = tpu.memref_slice %arg8[%dma_start3A_302, %dma_start3A_303, %dma_start3A_304] : memref<8x8x129xf32, #tpu.memory_space<vmem>> -> memref<8x8x128xf32, #tpu.memory_space<vmem>>
      %dma_start3A_306 = arith.constant 0 : i32
      %dma_start3A_307 = arith.constant 0 : i32
      %dma_start3A_308 = arith.constant 0 : i32
      %dma_start3A_309 = tpu.memref_slice %arg4[%add3A_284, %dma_start3A_306, %add3A, %dma_start3A_307, %dma_start3A_308] : memref<200x8x32x8x128xf32, #tpu.memory_space<hbm>> -> memref<1x8x1x8x128xf32, #tpu.memory_space<hbm>>
      %dma_start3A_310 = tpu.memref_squeeze %dma_start3A_309 : memref<1x8x1x8x128xf32, #tpu.memory_space<hbm>> -> memref<8x8x128xf32, #tpu.memory_space<hbm>>
      %dma_start3A_311 = arith.constant 0 : i32
      %dma_start3A_312 = arith.constant 0 : i32
      %dma_start3A_313 = arith.constant 0 : i32
      %dma_start3A_314 = tpu.memref_slice %arg4[%add3A_284, %dma_start3A_311, %add3A, %dma_start3A_312, %dma_start3A_313] : memref<200x8x32x8x128xf32, #tpu.memory_space<hbm>> -> memref<1x8x1x8x128xf32, #tpu.memory_space<hbm>>
      %dma_start3A_315 = tpu.memref_squeeze %dma_start3A_314 : memref<1x8x1x8x128xf32, #tpu.memory_space<hbm>> -> memref<8x8x128xf32, #tpu.memory_space<hbm>>
      %dma_start3A_316 = arith.constant 0 : i32
      %dma_start3A_317 = arith.constant 0 : i32
      %dma_start3A_318 = arith.constant 0 : i32
      %dma_start3A_319 = tpu.memref_slice %arg8[%dma_start3A_316, %dma_start3A_317, %dma_start3A_318] : memref<8x8x129xf32, #tpu.memory_space<vmem>> -> memref<8x8x128xf32, #tpu.memory_space<vmem>>
      tpu.enqueue_dma source(%dma_start3A_319 : memref<8x8x128xf32, #tpu.memory_space<vmem>>) target(%dma_start3A_315 : memref<8x8x128xf32, #tpu.memory_space<hbm>>) target_semaphore(%arg12 : memref<!tpu.dma_semaphore, #tpu.memory_space<semaphore_mem>>)
      %mul3A_320 = arith.constant 2 : i32
      %mul3A_321 = arith.muli %add3A_280, %mul3A_320 : i32
      %add3A_322 = arith.constant 1 : i32
      %add3A_323 = arith.addi %mul3A_321, %add3A_322 : i32
      %add3A_324 = arith.constant 1 : i32
      %add3A_325 = arith.addi %add3A_323, %add3A_324 : i32
      %lt3A_326 = arith.constant 200 : i32
      %lt3A_327 = arith.cmpi slt, %add3A_325, %lt3A_326 : i32
      %convert_element_type3A_328 = arith.extui %lt3A_327 : i1 to i32
      %cond3A_329 = arith.constant 0 : i32
      %cond3A_330 = arith.cmpi ne, %convert_element_type3A_328, %cond3A_329 : i32
      scf.if %cond3A_330 {
        %ge3A = arith.constant 1 : i32
        %ge3A_361 = arith.cmpi sge, %add3A_323, %ge3A : i32
        %convert_element_type3A_362 = arith.extui %ge3A_361 : i1 to i32
        %cond3A_363 = arith.constant 0 : i32
        %cond3A_364 = arith.cmpi ne, %convert_element_type3A_362, %cond3A_363 : i32
        scf.if %cond3A_364 {
          %dma_wait3A_373 = arith.constant 0 : i32
          %dma_wait3A_374 = arith.constant 0 : i32
          %dma_wait3A_375 = arith.constant 0 : i32
          %dma_wait3A_376 = arith.constant 0 : i32
          %dma_wait3A_377 = tpu.memref_slice %arg8[%dma_wait3A_374, %dma_wait3A_375, %dma_wait3A_376] : memref<8x8x129xf32, #tpu.memory_space<vmem>> -> memref<8x8x128xf32, #tpu.memory_space<vmem>>
          %dma_wait3A_378 = arith.constant 0 : i32
          %dma_wait3A_379 = arith.constant 0 : i32
          %dma_wait3A_380 = arith.constant 0 : i32
          %dma_wait3A_381 = tpu.memref_slice %arg4[%dma_wait3A_373, %dma_wait3A_378, %add3A, %dma_wait3A_379, %dma_wait3A_380] : memref<200x8x32x8x128xf32, #tpu.memory_space<hbm>> -> memref<1x8x1x8x128xf32, #tpu.memory_space<hbm>>
          %dma_wait3A_382 = tpu.memref_squeeze %dma_wait3A_381 : memref<1x8x1x8x128xf32, #tpu.memory_space<hbm>> -> memref<8x8x128xf32, #tpu.memory_space<hbm>>
          %dma_wait3A_383 = arith.constant 0 : i32
          %dma_wait3A_384 = arith.constant 0 : i32
          %dma_wait3A_385 = arith.constant 0 : i32
          %dma_wait3A_386 = tpu.memref_slice %arg4[%dma_wait3A_373, %dma_wait3A_383, %add3A, %dma_wait3A_384, %dma_wait3A_385] : memref<200x8x32x8x128xf32, #tpu.memory_space<hbm>> -> memref<1x8x1x8x128xf32, #tpu.memory_space<hbm>>
          %dma_wait3A_387 = tpu.memref_squeeze %dma_wait3A_386 : memref<1x8x1x8x128xf32, #tpu.memory_space<hbm>> -> memref<8x8x128xf32, #tpu.memory_space<hbm>>
          %dma_wait3A_388 = arith.constant 0 : i32
          %dma_wait3A_389 = arith.constant 0 : i32
          %dma_wait3A_390 = arith.constant 0 : i32
          %dma_wait3A_391 = tpu.memref_slice %arg8[%dma_wait3A_388, %dma_wait3A_389, %dma_wait3A_390] : memref<8x8x129xf32, #tpu.memory_space<vmem>> -> memref<8x8x128xf32, #tpu.memory_space<vmem>>
          tpu.wait_dma2 semaphore(%arg12 : memref<!tpu.dma_semaphore, #tpu.memory_space<semaphore_mem>>) src(%dma_wait3A_391 : memref<8x8x128xf32, #tpu.memory_space<vmem>>) dst(%dma_wait3A_387 : memref<8x8x128xf32, #tpu.memory_space<hbm>>)
        } else {
        }
        %add3A_365 = arith.constant 1 : i32
        %add3A_366 = arith.addi %add3A_323, %add3A_365 : i32
        %dma_start3A_367 = arith.constant 0 : i32
        %dma_start3A_368 = tpu.memref_slice %arg5[%add3A_366, %dma_start3A_367] : memref<200x128xi32, #tpu.memory_space<vmem>> -> memref<1x128xi32, #tpu.memory_space<vmem>>
        %dma_start3A_369 = tpu.memref_squeeze %dma_start3A_368 : memref<1x128xi32, #tpu.memory_space<vmem>> -> memref<128xi32, #tpu.memory_space<vmem>>
        %dma_start3A_370 = arith.constant 0 : i32
        %dma_start3A_371 = arith.constant 0 : i32
        %dma_start3A_372 = tpu.memref_slice %arg3[%dma_start3A_370, %dma_start3A_371] : memref<1000000x64xf32, #tpu.memory_space<hbm>> -> memref<1000000x64xf32, #tpu.memory_space<hbm>>
        tpu.enqueue_indirect_dma source(%dma_start3A_372 : memref<1000000x64xf32, #tpu.memory_space<hbm>>) target(%arg6 : memref<128x64xf32, #tpu.memory_space<vmem>>) offsets(%dma_start3A_369 : memref<128xi32, #tpu.memory_space<vmem>>) semaphore(%arg10 : memref<!tpu.dma_semaphore, #tpu.memory_space<semaphore_mem>>)
      } else {
      }
      %dma_wait3A_331 = arith.constant 0 : i32
      %dma_wait3A_332 = arith.constant 0 : i32
      %dma_wait3A_333 = tpu.memref_slice %arg5[%dma_wait3A_331, %dma_wait3A_332] : memref<200x128xi32, #tpu.memory_space<vmem>> -> memref<1x128xi32, #tpu.memory_space<vmem>>
      %dma_wait3A_334 = tpu.memref_squeeze %dma_wait3A_333 : memref<1x128xi32, #tpu.memory_space<vmem>> -> memref<128xi32, #tpu.memory_space<vmem>>
      %dma_wait3A_335 = arith.constant 0 : i32
      %dma_wait3A_336 = arith.constant 0 : i32
      %dma_wait3A_337 = tpu.memref_slice %arg3[%dma_wait3A_335, %dma_wait3A_336] : memref<1000000x64xf32, #tpu.memory_space<hbm>> -> memref<1000000x64xf32, #tpu.memory_space<hbm>>
      tpu.wait_indirect_dma semaphore(%arg11 : memref<!tpu.dma_semaphore, #tpu.memory_space<semaphore_mem>>) src(%dma_wait3A_337 : memref<1000000x64xf32, #tpu.memory_space<hbm>>) dst(%arg7 : memref<128x64xf32, #tpu.memory_space<vmem>>)
      %scan3A_338 = arith.constant 0 : i32
      %scan3A_339 = arith.constant 128 : i32
      %scan3A_340 = arith.addi %scan3A_338, %scan3A_339 : i32
      %scan3A_341 = arith.constant 8 : i32
      scf.for %scan3A_361 = %scan3A_338 to %scan3A_340 step %scan3A_341  : i32 {
        %mul3A_362 = arith.constant 1 : i32
        %mul3A_363 = arith.muli %scan3A_361, %mul3A_362 : i32
        %add3A_364 = arith.constant 0 : i32
        %add3A_365 = arith.addi %add3A_364, %mul3A_363 : i32
        %broadcast_in_dim3A = arith.constant 0 : i32
        %broadcast_in_dim3A_366 = vector.broadcast %broadcast_in_dim3A : i32 to vector<16xi32>
        %add3A_367 = vector.broadcast %add3A_365 : i32 to vector<16xi32>
        %add3A_368 = arith.addi %broadcast_in_dim3A_366, %add3A_367 : vector<16xi32>
        %get3A = arith.index_cast %add3A_365 : i32 to index
        %get3A_369 = arith.constant 0 : index
        %get3A_370 = tpu.vector_load %arg7[%get3A, %get3A_369] {strides = array<i32>} : memref<128x64xf32, #tpu.memory_space<vmem>>, vector<16xf32>,
        %mul3A_371 = arith.constant 8.000000e+00 : f32
        %mul3A_372 = vector.broadcast %mul3A_371 : f32 to vector<16xf32>
        %mul3A_373 = arith.mulf %get3A_370, %mul3A_372 : vector<16xf32>
        tpu.vector_store_idx %arg9[%select_n3A, %select_n3A_153, %add3A_368], %mul3A_373 : memref<8x8x129xf32, #tpu.memory_space<vmem>>[vector<16xi32>, vector<16xi32>, vector<16xi32>], vector<16xf32>,
        %get3A_374 = arith.index_cast %add3A_365 : i32 to index
        %get3A_375 = arith.constant 16 : index
        %get3A_376 = tpu.vector_load %arg7[%get3A_374, %get3A_375] {strides = array<i32>} : memref<128x64xf32, #tpu.memory_space<vmem>>, vector<16xf32>,
        %mul3A_377 = arith.constant 8.000000e+00 : f32
        %mul3A_378 = vector.broadcast %mul3A_377 : f32 to vector<16xf32>
        %mul3A_379 = arith.mulf %get3A_376, %mul3A_378 : vector<16xf32>
        tpu.vector_store_idx %arg9[%select_n3A_62, %select_n3A_178, %add3A_368], %mul3A_379 : memref<8x8x129xf32, #tpu.memory_space<vmem>>[vector<16xi32>, vector<16xi32>, vector<16xi32>], vector<16xf32>,
        %get3A_380 = arith.index_cast %add3A_365 : i32 to index
        %get3A_381 = arith.constant 32 : index
        %get3A_382 = tpu.vector_load %arg7[%get3A_380, %get3A_381] {strides = array<i32>} : memref<128x64xf32, #tpu.memory_space<vmem>>, vector<16xf32>,
        %mul3A_383 = arith.constant 8.000000e+00 : f32
        %mul3A_384 = vector.broadcast %mul3A_383 : f32 to vector<16xf32>
        %mul3A_385 = arith.mulf %get3A_382, %mul3A_384 : vector<16xf32>
        tpu.vector_store_idx %arg9[%select_n3A_96, %select_n3A_203, %add3A_368], %mul3A_385 : memref<8x8x129xf32, #tpu.memory_space<vmem>>[vector<16xi32>, vector<16xi32>, vector<16xi32>], vector<16xf32>,
        %get3A_386 = arith.index_cast %add3A_365 : i32 to index
        %get3A_387 = arith.constant 48 : index
        %get3A_388 = tpu.vector_load %arg7[%get3A_386, %get3A_387] {strides = array<i32>} : memref<128x64xf32, #tpu.memory_space<vmem>>, vector<16xf32>,
        %mul3A_389 = arith.constant 8.000000e+00 : f32
        %mul3A_390 = vector.broadcast %mul3A_389 : f32 to vector<16xf32>
        %mul3A_391 = arith.mulf %get3A_388, %mul3A_390 : vector<16xf32>
        tpu.vector_store_idx %arg9[%select_n3A_130, %select_n3A_228, %add3A_368], %mul3A_391 : memref<8x8x129xf32, #tpu.memory_space<vmem>>[vector<16xi32>, vector<16xi32>, vector<16xi32>], vector<16xf32>,
        %scan3A_392 = arith.constant 1 : i32
        %scan3A_393 = arith.addi %scan3A_361, %scan3A_392 : i32
        %mul3A_394 = arith.constant 1 : i32
        %mul3A_395 = arith.muli %scan3A_393, %mul3A_394 : i32
        %add3A_396 = arith.constant 0 : i32
        %add3A_397 = arith.addi %add3A_396, %mul3A_395 : i32
        %broadcast_in_dim3A_398 = arith.constant 0 : i32
        %broadcast_in_dim3A_399 = vector.broadcast %broadcast_in_dim3A_398 : i32 to vector<16xi32>
        %add3A_400 = vector.broadcast %add3A_397 : i32 to vector<16xi32>
        %add3A_401 = arith.addi %broadcast_in_dim3A_399, %add3A_400 : vector<16xi32>
        %get3A_402 = arith.index_cast %add3A_397 : i32 to index
        %get3A_403 = arith.constant 0 : index
        %get3A_404 = tpu.vector_load %arg7[%get3A_402, %get3A_403] {strides = array<i32>} : memref<128x64xf32, #tpu.memory_space<vmem>>, vector<16xf32>,
        %mul3A_405 = arith.constant 8.000000e+00 : f32
        %mul3A_406 = vector.broadcast %mul3A_405 : f32 to vector<16xf32>
        %mul3A_407 = arith.mulf %get3A_404, %mul3A_406 : vector<16xf32>
        tpu.vector_store_idx %arg9[%select_n3A, %select_n3A_153, %add3A_401], %mul3A_407 : memref<8x8x129xf32, #tpu.memory_space<vmem>>[vector<16xi32>, vector<16xi32>, vector<16xi32>], vector<16xf32>,
        %get3A_408 = arith.index_cast %add3A_397 : i32 to index
        %get3A_409 = arith.constant 16 : index
        %get3A_410 = tpu.vector_load %arg7[%get3A_408, %get3A_409] {strides = array<i32>} : memref<128x64xf32, #tpu.memory_space<vmem>>, vector<16xf32>,
        %mul3A_411 = arith.constant 8.000000e+00 : f32
        %mul3A_412 = vector.broadcast %mul3A_411 : f32 to vector<16xf32>
        %mul3A_413 = arith.mulf %get3A_410, %mul3A_412 : vector<16xf32>
        tpu.vector_store_idx %arg9[%select_n3A_62, %select_n3A_178, %add3A_401], %mul3A_413 : memref<8x8x129xf32, #tpu.memory_space<vmem>>[vector<16xi32>, vector<16xi32>, vector<16xi32>], vector<16xf32>,
        %get3A_414 = arith.index_cast %add3A_397 : i32 to index
        %get3A_415 = arith.constant 32 : index
        %get3A_416 = tpu.vector_load %arg7[%get3A_414, %get3A_415] {strides = array<i32>} : memref<128x64xf32, #tpu.memory_space<vmem>>, vector<16xf32>,
        %mul3A_417 = arith.constant 8.000000e+00 : f32
        %mul3A_418 = vector.broadcast %mul3A_417 : f32 to vector<16xf32>
        %mul3A_419 = arith.mulf %get3A_416, %mul3A_418 : vector<16xf32>
        tpu.vector_store_idx %arg9[%select_n3A_96, %select_n3A_203, %add3A_401], %mul3A_419 : memref<8x8x129xf32, #tpu.memory_space<vmem>>[vector<16xi32>, vector<16xi32>, vector<16xi32>], vector<16xf32>,
        %get3A_420 = arith.index_cast %add3A_397 : i32 to index
        %get3A_421 = arith.constant 48 : index
        %get3A_422 = tpu.vector_load %arg7[%get3A_420, %get3A_421] {strides = array<i32>} : memref<128x64xf32, #tpu.memory_space<vmem>>, vector<16xf32>,
        %mul3A_423 = arith.constant 8.000000e+00 : f32
        %mul3A_424 = vector.broadcast %mul3A_423 : f32 to vector<16xf32>
        %mul3A_425 = arith.mulf %get3A_422, %mul3A_424 : vector<16xf32>
        tpu.vector_store_idx %arg9[%select_n3A_130, %select_n3A_228, %add3A_401], %mul3A_425 : memref<8x8x129xf32, #tpu.memory_space<vmem>>[vector<16xi32>, vector<16xi32>, vector<16xi32>], vector<16xf32>,
        %scan3A_426 = arith.constant 2 : i32
        %scan3A_427 = arith.addi %scan3A_361, %scan3A_426 : i32
        %mul3A_428 = arith.constant 1 : i32
        %mul3A_429 = arith.muli %scan3A_427, %mul3A_428 : i32
        %add3A_430 = arith.constant 0 : i32
        %add3A_431 = arith.addi %add3A_430, %mul3A_429 : i32
        %broadcast_in_dim3A_432 = arith.constant 0 : i32
        %broadcast_in_dim3A_433 = vector.broadcast %broadcast_in_dim3A_432 : i32 to vector<16xi32>
        %add3A_434 = vector.broadcast %add3A_431 : i32 to vector<16xi32>
        %add3A_435 = arith.addi %broadcast_in_dim3A_433, %add3A_434 : vector<16xi32>
        %get3A_436 = arith.index_cast %add3A_431 : i32 to index
        %get3A_437 = arith.constant 0 : index
        %get3A_438 = tpu.vector_load %arg7[%get3A_436, %get3A_437] {strides = array<i32>} : memref<128x64xf32, #tpu.memory_space<vmem>>, vector<16xf32>,
        %mul3A_439 = arith.constant 8.000000e+00 : f32
        %mul3A_440 = vector.broadcast %mul3A_439 : f32 to vector<16xf32>
        %mul3A_441 = arith.mulf %get3A_438, %mul3A_440 : vector<16xf32>
        tpu.vector_store_idx %arg9[%select_n3A, %select_n3A_153, %add3A_435], %mul3A_441 : memref<8x8x129xf32, #tpu.memory_space<vmem>>[vector<16xi32>, vector<16xi32>, vector<16xi32>], vector<16xf32>,
        %get3A_442 = arith.index_cast %add3A_431 : i32 to index
        %get3A_443 = arith.constant 16 : index
        %get3A_444 = tpu.vector_load %arg7[%get3A_442, %get3A_443] {strides = array<i32>} : memref<128x64xf32, #tpu.memory_space<vmem>>, vector<16xf32>,
        %mul3A_445 = arith.constant 8.000000e+00 : f32
        %mul3A_446 = vector.broadcast %mul3A_445 : f32 to vector<16xf32>
        %mul3A_447 = arith.mulf %get3A_444, %mul3A_446 : vector<16xf32>
        tpu.vector_store_idx %arg9[%select_n3A_62, %select_n3A_178, %add3A_435], %mul3A_447 : memref<8x8x129xf32, #tpu.memory_space<vmem>>[vector<16xi32>, vector<16xi32>, vector<16xi32>], vector<16xf32>,
        %get3A_448 = arith.index_cast %add3A_431 : i32 to index
        %get3A_449 = arith.constant 32 : index
        %get3A_450 = tpu.vector_load %arg7[%get3A_448, %get3A_449] {strides = array<i32>} : memref<128x64xf32, #tpu.memory_space<vmem>>, vector<16xf32>,
        %mul3A_451 = arith.constant 8.000000e+00 : f32
        %mul3A_452 = vector.broadcast %mul3A_451 : f32 to vector<16xf32>
        %mul3A_453 = arith.mulf %get3A_450, %mul3A_452 : vector<16xf32>
        tpu.vector_store_idx %arg9[%select_n3A_96, %select_n3A_203, %add3A_435], %mul3A_453 : memref<8x8x129xf32, #tpu.memory_space<vmem>>[vector<16xi32>, vector<16xi32>, vector<16xi32>], vector<16xf32>,
        %get3A_454 = arith.index_cast %add3A_431 : i32 to index
        %get3A_455 = arith.constant 48 : index
        %get3A_456 = tpu.vector_load %arg7[%get3A_454, %get3A_455] {strides = array<i32>} : memref<128x64xf32, #tpu.memory_space<vmem>>, vector<16xf32>,
        %mul3A_457 = arith.constant 8.000000e+00 : f32
        %mul3A_458 = vector.broadcast %mul3A_457 : f32 to vector<16xf32>
        %mul3A_459 = arith.mulf %get3A_456, %mul3A_458 : vector<16xf32>
        tpu.vector_store_idx %arg9[%select_n3A_130, %select_n3A_228, %add3A_435], %mul3A_459 : memref<8x8x129xf32, #tpu.memory_space<vmem>>[vector<16xi32>, vector<16xi32>, vector<16xi32>], vector<16xf32>,
        %scan3A_460 = arith.constant 3 : i32
        %scan3A_461 = arith.addi %scan3A_361, %scan3A_460 : i32
        %mul3A_462 = arith.constant 1 : i32
        %mul3A_463 = arith.muli %scan3A_461, %mul3A_462 : i32
        %add3A_464 = arith.constant 0 : i32
        %add3A_465 = arith.addi %add3A_464, %mul3A_463 : i32
        %broadcast_in_dim3A_466 = arith.constant 0 : i32
        %broadcast_in_dim3A_467 = vector.broadcast %broadcast_in_dim3A_466 : i32 to vector<16xi32>
        %add3A_468 = vector.broadcast %add3A_465 : i32 to vector<16xi32>
        %add3A_469 = arith.addi %broadcast_in_dim3A_467, %add3A_468 : vector<16xi32>
        %get3A_470 = arith.index_cast %add3A_465 : i32 to index
        %get3A_471 = arith.constant 0 : index
        %get3A_472 = tpu.vector_load %arg7[%get3A_470, %get3A_471] {strides = array<i32>} : memref<128x64xf32, #tpu.memory_space<vmem>>, vector<16xf32>,
        %mul3A_473 = arith.constant 8.000000e+00 : f32
        %mul3A_474 = vector.broadcast %mul3A_473 : f32 to vector<16xf32>
        %mul3A_475 = arith.mulf %get3A_472, %mul3A_474 : vector<16xf32>
        tpu.vector_store_idx %arg9[%select_n3A, %select_n3A_153, %add3A_469], %mul3A_475 : memref<8x8x129xf32, #tpu.memory_space<vmem>>[vector<16xi32>, vector<16xi32>, vector<16xi32>], vector<16xf32>,
        %get3A_476 = arith.index_cast %add3A_465 : i32 to index
        %get3A_477 = arith.constant 16 : index
        %get3A_478 = tpu.vector_load %arg7[%get3A_476, %get3A_477] {strides = array<i32>} : memref<128x64xf32, #tpu.memory_space<vmem>>, vector<16xf32>,
        %mul3A_479 = arith.constant 8.000000e+00 : f32
        %mul3A_480 = vector.broadcast %mul3A_479 : f32 to vector<16xf32>
        %mul3A_481 = arith.mulf %get3A_478, %mul3A_480 : vector<16xf32>
        tpu.vector_store_idx %arg9[%select_n3A_62, %select_n3A_178, %add3A_469], %mul3A_481 : memref<8x8x129xf32, #tpu.memory_space<vmem>>[vector<16xi32>, vector<16xi32>, vector<16xi32>], vector<16xf32>,
        %get3A_482 = arith.index_cast %add3A_465 : i32 to index
        %get3A_483 = arith.constant 32 : index
        %get3A_484 = tpu.vector_load %arg7[%get3A_482, %get3A_483] {strides = array<i32>} : memref<128x64xf32, #tpu.memory_space<vmem>>, vector<16xf32>,
        %mul3A_485 = arith.constant 8.000000e+00 : f32
        %mul3A_486 = vector.broadcast %mul3A_485 : f32 to vector<16xf32>
        %mul3A_487 = arith.mulf %get3A_484, %mul3A_486 : vector<16xf32>
        tpu.vector_store_idx %arg9[%select_n3A_96, %select_n3A_203, %add3A_469], %mul3A_487 : memref<8x8x129xf32, #tpu.memory_space<vmem>>[vector<16xi32>, vector<16xi32>, vector<16xi32>], vector<16xf32>,
        %get3A_488 = arith.index_cast %add3A_465 : i32 to index
        %get3A_489 = arith.constant 48 : index
        %get3A_490 = tpu.vector_load %arg7[%get3A_488, %get3A_489] {strides = array<i32>} : memref<128x64xf32, #tpu.memory_space<vmem>>, vector<16xf32>,
        %mul3A_491 = arith.constant 8.000000e+00 : f32
        %mul3A_492 = vector.broadcast %mul3A_491 : f32 to vector<16xf32>
        %mul3A_493 = arith.mulf %get3A_490, %mul3A_492 : vector<16xf32>
        tpu.vector_store_idx %arg9[%select_n3A_130, %select_n3A_228, %add3A_469], %mul3A_493 : memref<8x8x129xf32, #tpu.memory_space<vmem>>[vector<16xi32>, vector<16xi32>, vector<16xi32>], vector<16xf32>,
        %scan3A_494 = arith.constant 4 : i32
        %scan3A_495 = arith.addi %scan3A_361, %scan3A_494 : i32
        %mul3A_496 = arith.constant 1 : i32
        %mul3A_497 = arith.muli %scan3A_495, %mul3A_496 : i32
        %add3A_498 = arith.constant 0 : i32
        %add3A_499 = arith.addi %add3A_498, %mul3A_497 : i32
        %broadcast_in_dim3A_500 = arith.constant 0 : i32
        %broadcast_in_dim3A_501 = vector.broadcast %broadcast_in_dim3A_500 : i32 to vector<16xi32>
        %add3A_502 = vector.broadcast %add3A_499 : i32 to vector<16xi32>
        %add3A_503 = arith.addi %broadcast_in_dim3A_501, %add3A_502 : vector<16xi32>
        %get3A_504 = arith.index_cast %add3A_499 : i32 to index
        %get3A_505 = arith.constant 0 : index
        %get3A_506 = tpu.vector_load %arg7[%get3A_504, %get3A_505] {strides = array<i32>} : memref<128x64xf32, #tpu.memory_space<vmem>>, vector<16xf32>,
        %mul3A_507 = arith.constant 8.000000e+00 : f32
        %mul3A_508 = vector.broadcast %mul3A_507 : f32 to vector<16xf32>
        %mul3A_509 = arith.mulf %get3A_506, %mul3A_508 : vector<16xf32>
        tpu.vector_store_idx %arg9[%select_n3A, %select_n3A_153, %add3A_503], %mul3A_509 : memref<8x8x129xf32, #tpu.memory_space<vmem>>[vector<16xi32>, vector<16xi32>, vector<16xi32>], vector<16xf32>,
        %get3A_510 = arith.index_cast %add3A_499 : i32 to index
        %get3A_511 = arith.constant 16 : index
        %get3A_512 = tpu.vector_load %arg7[%get3A_510, %get3A_511] {strides = array<i32>} : memref<128x64xf32, #tpu.memory_space<vmem>>, vector<16xf32>,
        %mul3A_513 = arith.constant 8.000000e+00 : f32
        %mul3A_514 = vector.broadcast %mul3A_513 : f32 to vector<16xf32>
        %mul3A_515 = arith.mulf %get3A_512, %mul3A_514 : vector<16xf32>
        tpu.vector_store_idx %arg9[%select_n3A_62, %select_n3A_178, %add3A_503], %mul3A_515 : memref<8x8x129xf32, #tpu.memory_space<vmem>>[vector<16xi32>, vector<16xi32>, vector<16xi32>], vector<16xf32>,
        %get3A_516 = arith.index_cast %add3A_499 : i32 to index
        %get3A_517 = arith.constant 32 : index
        %get3A_518 = tpu.vector_load %arg7[%get3A_516, %get3A_517] {strides = array<i32>} : memref<128x64xf32, #tpu.memory_space<vmem>>, vector<16xf32>,
        %mul3A_519 = arith.constant 8.000000e+00 : f32
        %mul3A_520 = vector.broadcast %mul3A_519 : f32 to vector<16xf32>
        %mul3A_521 = arith.mulf %get3A_518, %mul3A_520 : vector<16xf32>
        tpu.vector_store_idx %arg9[%select_n3A_96, %select_n3A_203, %add3A_503], %mul3A_521 : memref<8x8x129xf32, #tpu.memory_space<vmem>>[vector<16xi32>, vector<16xi32>, vector<16xi32>], vector<16xf32>,
        %get3A_522 = arith.index_cast %add3A_499 : i32 to index
        %get3A_523 = arith.constant 48 : index
        %get3A_524 = tpu.vector_load %arg7[%get3A_522, %get3A_523] {strides = array<i32>} : memref<128x64xf32, #tpu.memory_space<vmem>>, vector<16xf32>,
        %mul3A_525 = arith.constant 8.000000e+00 : f32
        %mul3A_526 = vector.broadcast %mul3A_525 : f32 to vector<16xf32>
        %mul3A_527 = arith.mulf %get3A_524, %mul3A_526 : vector<16xf32>
        tpu.vector_store_idx %arg9[%select_n3A_130, %select_n3A_228, %add3A_503], %mul3A_527 : memref<8x8x129xf32, #tpu.memory_space<vmem>>[vector<16xi32>, vector<16xi32>, vector<16xi32>], vector<16xf32>,
        %scan3A_528 = arith.constant 5 : i32
        %scan3A_529 = arith.addi %scan3A_361, %scan3A_528 : i32
        %mul3A_530 = arith.constant 1 : i32
        %mul3A_531 = arith.muli %scan3A_529, %mul3A_530 : i32
        %add3A_532 = arith.constant 0 : i32
        %add3A_533 = arith.addi %add3A_532, %mul3A_531 : i32
        %broadcast_in_dim3A_534 = arith.constant 0 : i32
        %broadcast_in_dim3A_535 = vector.broadcast %broadcast_in_dim3A_534 : i32 to vector<16xi32>
        %add3A_536 = vector.broadcast %add3A_533 : i32 to vector<16xi32>
        %add3A_537 = arith.addi %broadcast_in_dim3A_535, %add3A_536 : vector<16xi32>
        %get3A_538 = arith.index_cast %add3A_533 : i32 to index
        %get3A_539 = arith.constant 0 : index
        %get3A_540 = tpu.vector_load %arg7[%get3A_538, %get3A_539] {strides = array<i32>} : memref<128x64xf32, #tpu.memory_space<vmem>>, vector<16xf32>,
        %mul3A_541 = arith.constant 8.000000e+00 : f32
        %mul3A_542 = vector.broadcast %mul3A_541 : f32 to vector<16xf32>
        %mul3A_543 = arith.mulf %get3A_540, %mul3A_542 : vector<16xf32>
        tpu.vector_store_idx %arg9[%select_n3A, %select_n3A_153, %add3A_537], %mul3A_543 : memref<8x8x129xf32, #tpu.memory_space<vmem>>[vector<16xi32>, vector<16xi32>, vector<16xi32>], vector<16xf32>,
        %get3A_544 = arith.index_cast %add3A_533 : i32 to index
        %get3A_545 = arith.constant 16 : index
        %get3A_546 = tpu.vector_load %arg7[%get3A_544, %get3A_545] {strides = array<i32>} : memref<128x64xf32, #tpu.memory_space<vmem>>, vector<16xf32>,
        %mul3A_547 = arith.constant 8.000000e+00 : f32
        %mul3A_548 = vector.broadcast %mul3A_547 : f32 to vector<16xf32>
        %mul3A_549 = arith.mulf %get3A_546, %mul3A_548 : vector<16xf32>
        tpu.vector_store_idx %arg9[%select_n3A_62, %select_n3A_178, %add3A_537], %mul3A_549 : memref<8x8x129xf32, #tpu.memory_space<vmem>>[vector<16xi32>, vector<16xi32>, vector<16xi32>], vector<16xf32>,
        %get3A_550 = arith.index_cast %add3A_533 : i32 to index
        %get3A_551 = arith.constant 32 : index
        %get3A_552 = tpu.vector_load %arg7[%get3A_550, %get3A_551] {strides = array<i32>} : memref<128x64xf32, #tpu.memory_space<vmem>>, vector<16xf32>,
        %mul3A_553 = arith.constant 8.000000e+00 : f32
        %mul3A_554 = vector.broadcast %mul3A_553 : f32 to vector<16xf32>
        %mul3A_555 = arith.mulf %get3A_552, %mul3A_554 : vector<16xf32>
        tpu.vector_store_idx %arg9[%select_n3A_96, %select_n3A_203, %add3A_537], %mul3A_555 : memref<8x8x129xf32, #tpu.memory_space<vmem>>[vector<16xi32>, vector<16xi32>, vector<16xi32>], vector<16xf32>,
        %get3A_556 = arith.index_cast %add3A_533 : i32 to index
        %get3A_557 = arith.constant 48 : index
        %get3A_558 = tpu.vector_load %arg7[%get3A_556, %get3A_557] {strides = array<i32>} : memref<128x64xf32, #tpu.memory_space<vmem>>, vector<16xf32>,
        %mul3A_559 = arith.constant 8.000000e+00 : f32
        %mul3A_560 = vector.broadcast %mul3A_559 : f32 to vector<16xf32>
        %mul3A_561 = arith.mulf %get3A_558, %mul3A_560 : vector<16xf32>
        tpu.vector_store_idx %arg9[%select_n3A_130, %select_n3A_228, %add3A_537], %mul3A_561 : memref<8x8x129xf32, #tpu.memory_space<vmem>>[vector<16xi32>, vector<16xi32>, vector<16xi32>], vector<16xf32>,
        %scan3A_562 = arith.constant 6 : i32
        %scan3A_563 = arith.addi %scan3A_361, %scan3A_562 : i32
        %mul3A_564 = arith.constant 1 : i32
        %mul3A_565 = arith.muli %scan3A_563, %mul3A_564 : i32
        %add3A_566 = arith.constant 0 : i32
        %add3A_567 = arith.addi %add3A_566, %mul3A_565 : i32
        %broadcast_in_dim3A_568 = arith.constant 0 : i32
        %broadcast_in_dim3A_569 = vector.broadcast %broadcast_in_dim3A_568 : i32 to vector<16xi32>
        %add3A_570 = vector.broadcast %add3A_567 : i32 to vector<16xi32>
        %add3A_571 = arith.addi %broadcast_in_dim3A_569, %add3A_570 : vector<16xi32>
        %get3A_572 = arith.index_cast %add3A_567 : i32 to index
        %get3A_573 = arith.constant 0 : index
        %get3A_574 = tpu.vector_load %arg7[%get3A_572, %get3A_573] {strides = array<i32>} : memref<128x64xf32, #tpu.memory_space<vmem>>, vector<16xf32>,
        %mul3A_575 = arith.constant 8.000000e+00 : f32
        %mul3A_576 = vector.broadcast %mul3A_575 : f32 to vector<16xf32>
        %mul3A_577 = arith.mulf %get3A_574, %mul3A_576 : vector<16xf32>
        tpu.vector_store_idx %arg9[%select_n3A, %select_n3A_153, %add3A_571], %mul3A_577 : memref<8x8x129xf32, #tpu.memory_space<vmem>>[vector<16xi32>, vector<16xi32>, vector<16xi32>], vector<16xf32>,
        %get3A_578 = arith.index_cast %add3A_567 : i32 to index
        %get3A_579 = arith.constant 16 : index
        %get3A_580 = tpu.vector_load %arg7[%get3A_578, %get3A_579] {strides = array<i32>} : memref<128x64xf32, #tpu.memory_space<vmem>>, vector<16xf32>,
        %mul3A_581 = arith.constant 8.000000e+00 : f32
        %mul3A_582 = vector.broadcast %mul3A_581 : f32 to vector<16xf32>
        %mul3A_583 = arith.mulf %get3A_580, %mul3A_582 : vector<16xf32>
        tpu.vector_store_idx %arg9[%select_n3A_62, %select_n3A_178, %add3A_571], %mul3A_583 : memref<8x8x129xf32, #tpu.memory_space<vmem>>[vector<16xi32>, vector<16xi32>, vector<16xi32>], vector<16xf32>,
        %get3A_584 = arith.index_cast %add3A_567 : i32 to index
        %get3A_585 = arith.constant 32 : index
        %get3A_586 = tpu.vector_load %arg7[%get3A_584, %get3A_585] {strides = array<i32>} : memref<128x64xf32, #tpu.memory_space<vmem>>, vector<16xf32>,
        %mul3A_587 = arith.constant 8.000000e+00 : f32
        %mul3A_588 = vector.broadcast %mul3A_587 : f32 to vector<16xf32>
        %mul3A_589 = arith.mulf %get3A_586, %mul3A_588 : vector<16xf32>
        tpu.vector_store_idx %arg9[%select_n3A_96, %select_n3A_203, %add3A_571], %mul3A_589 : memref<8x8x129xf32, #tpu.memory_space<vmem>>[vector<16xi32>, vector<16xi32>, vector<16xi32>], vector<16xf32>,
        %get3A_590 = arith.index_cast %add3A_567 : i32 to index
        %get3A_591 = arith.constant 48 : index
        %get3A_592 = tpu.vector_load %arg7[%get3A_590, %get3A_591] {strides = array<i32>} : memref<128x64xf32, #tpu.memory_space<vmem>>, vector<16xf32>,
        %mul3A_593 = arith.constant 8.000000e+00 : f32
        %mul3A_594 = vector.broadcast %mul3A_593 : f32 to vector<16xf32>
        %mul3A_595 = arith.mulf %get3A_592, %mul3A_594 : vector<16xf32>
        tpu.vector_store_idx %arg9[%select_n3A_130, %select_n3A_228, %add3A_571], %mul3A_595 : memref<8x8x129xf32, #tpu.memory_space<vmem>>[vector<16xi32>, vector<16xi32>, vector<16xi32>], vector<16xf32>,
        %scan3A_596 = arith.constant 7 : i32
        %scan3A_597 = arith.addi %scan3A_361, %scan3A_596 : i32
        %mul3A_598 = arith.constant 1 : i32
        %mul3A_599 = arith.muli %scan3A_597, %mul3A_598 : i32
        %add3A_600 = arith.constant 0 : i32
        %add3A_601 = arith.addi %add3A_600, %mul3A_599 : i32
        %broadcast_in_dim3A_602 = arith.constant 0 : i32
        %broadcast_in_dim3A_603 = vector.broadcast %broadcast_in_dim3A_602 : i32 to vector<16xi32>
        %add3A_604 = vector.broadcast %add3A_601 : i32 to vector<16xi32>
        %add3A_605 = arith.addi %broadcast_in_dim3A_603, %add3A_604 : vector<16xi32>
        %get3A_606 = arith.index_cast %add3A_601 : i32 to index
        %get3A_607 = arith.constant 0 : index
        %get3A_608 = tpu.vector_load %arg7[%get3A_606, %get3A_607] {strides = array<i32>} : memref<128x64xf32, #tpu.memory_space<vmem>>, vector<16xf32>,
        %mul3A_609 = arith.constant 8.000000e+00 : f32
        %mul3A_610 = vector.broadcast %mul3A_609 : f32 to vector<16xf32>
        %mul3A_611 = arith.mulf %get3A_608, %mul3A_610 : vector<16xf32>
        tpu.vector_store_idx %arg9[%select_n3A, %select_n3A_153, %add3A_605], %mul3A_611 : memref<8x8x129xf32, #tpu.memory_space<vmem>>[vector<16xi32>, vector<16xi32>, vector<16xi32>], vector<16xf32>,
        %get3A_612 = arith.index_cast %add3A_601 : i32 to index
        %get3A_613 = arith.constant 16 : index
        %get3A_614 = tpu.vector_load %arg7[%get3A_612, %get3A_613] {strides = array<i32>} : memref<128x64xf32, #tpu.memory_space<vmem>>, vector<16xf32>,
        %mul3A_615 = arith.constant 8.000000e+00 : f32
        %mul3A_616 = vector.broadcast %mul3A_615 : f32 to vector<16xf32>
        %mul3A_617 = arith.mulf %get3A_614, %mul3A_616 : vector<16xf32>
        tpu.vector_store_idx %arg9[%select_n3A_62, %select_n3A_178, %add3A_605], %mul3A_617 : memref<8x8x129xf32, #tpu.memory_space<vmem>>[vector<16xi32>, vector<16xi32>, vector<16xi32>], vector<16xf32>,
        %get3A_618 = arith.index_cast %add3A_601 : i32 to index
        %get3A_619 = arith.constant 32 : index
        %get3A_620 = tpu.vector_load %arg7[%get3A_618, %get3A_619] {strides = array<i32>} : memref<128x64xf32, #tpu.memory_space<vmem>>, vector<16xf32>,
        %mul3A_621 = arith.constant 8.000000e+00 : f32
        %mul3A_622 = vector.broadcast %mul3A_621 : f32 to vector<16xf32>
        %mul3A_623 = arith.mulf %get3A_620, %mul3A_622 : vector<16xf32>
        tpu.vector_store_idx %arg9[%select_n3A_96, %select_n3A_203, %add3A_605], %mul3A_623 : memref<8x8x129xf32, #tpu.memory_space<vmem>>[vector<16xi32>, vector<16xi32>, vector<16xi32>], vector<16xf32>,
        %get3A_624 = arith.index_cast %add3A_601 : i32 to index
        %get3A_625 = arith.constant 48 : index
        %get3A_626 = tpu.vector_load %arg7[%get3A_624, %get3A_625] {strides = array<i32>} : memref<128x64xf32, #tpu.memory_space<vmem>>, vector<16xf32>,
        %mul3A_627 = arith.constant 8.000000e+00 : f32
        %mul3A_628 = vector.broadcast %mul3A_627 : f32 to vector<16xf32>
        %mul3A_629 = arith.mulf %get3A_626, %mul3A_628 : vector<16xf32>
        tpu.vector_store_idx %arg9[%select_n3A_130, %select_n3A_228, %add3A_605], %mul3A_629 : memref<8x8x129xf32, #tpu.memory_space<vmem>>[vector<16xi32>, vector<16xi32>, vector<16xi32>], vector<16xf32>,
      }
      %scan3A_342 = arith.constant 128 : i32
      %dma_start3A_343 = arith.constant 0 : i32
      %dma_start3A_344 = arith.constant 0 : i32
      %dma_start3A_345 = arith.constant 0 : i32
      %dma_start3A_346 = tpu.memref_slice %arg9[%dma_start3A_343, %dma_start3A_344, %dma_start3A_345] : memref<8x8x129xf32, #tpu.memory_space<vmem>> -> memref<8x8x128xf32, #tpu.memory_space<vmem>>
      %dma_start3A_347 = arith.constant 0 : i32
      %dma_start3A_348 = arith.constant 0 : i32
      %dma_start3A_349 = arith.constant 0 : i32
      %dma_start3A_350 = tpu.memref_slice %arg4[%add3A_323, %dma_start3A_347, %add3A, %dma_start3A_348, %dma_start3A_349] : memref<200x8x32x8x128xf32, #tpu.memory_space<hbm>> -> memref<1x8x1x8x128xf32, #tpu.memory_space<hbm>>
      %dma_start3A_351 = tpu.memref_squeeze %dma_start3A_350 : memref<1x8x1x8x128xf32, #tpu.memory_space<hbm>> -> memref<8x8x128xf32, #tpu.memory_space<hbm>>
      %dma_start3A_352 = arith.constant 0 : i32
      %dma_start3A_353 = arith.constant 0 : i32
      %dma_start3A_354 = arith.constant 0 : i32
      %dma_start3A_355 = tpu.memref_slice %arg4[%add3A_323, %dma_start3A_352, %add3A, %dma_start3A_353, %dma_start3A_354] : memref<200x8x32x8x128xf32, #tpu.memory_space<hbm>> -> memref<1x8x1x8x128xf32, #tpu.memory_space<hbm>>
      %dma_start3A_356 = tpu.memref_squeeze %dma_start3A_355 : memref<1x8x1x8x128xf32, #tpu.memory_space<hbm>> -> memref<8x8x128xf32, #tpu.memory_space<hbm>>
      %dma_start3A_357 = arith.constant 0 : i32
      %dma_start3A_358 = arith.constant 0 : i32
      %dma_start3A_359 = arith.constant 0 : i32
      %dma_start3A_360 = tpu.memref_slice %arg9[%dma_start3A_357, %dma_start3A_358, %dma_start3A_359] : memref<8x8x129xf32, #tpu.memory_space<vmem>> -> memref<8x8x128xf32, #tpu.memory_space<vmem>>
      tpu.enqueue_dma source(%dma_start3A_360 : memref<8x8x128xf32, #tpu.memory_space<vmem>>) target(%dma_start3A_356 : memref<8x8x128xf32, #tpu.memory_space<hbm>>) target_semaphore(%arg13 : memref<!tpu.dma_semaphore, #tpu.memory_space<semaphore_mem>>)
    }
    %scan3A_238 = arith.constant 100 : i32
    %dma_wait3A = arith.constant 0 : i32
    %dma_wait3A_239 = arith.constant 0 : i32
    %dma_wait3A_240 = arith.constant 0 : i32
    %dma_wait3A_241 = arith.constant 0 : i32
    %dma_wait3A_242 = tpu.memref_slice %arg8[%dma_wait3A_239, %dma_wait3A_240, %dma_wait3A_241] : memref<8x8x129xf32, #tpu.memory_space<vmem>> -> memref<8x8x128xf32, #tpu.memory_space<vmem>>
    %dma_wait3A_243 = arith.constant 0 : i32
    %dma_wait3A_244 = arith.constant 0 : i32
    %dma_wait3A_245 = arith.constant 0 : i32
    %dma_wait3A_246 = tpu.memref_slice %arg4[%dma_wait3A, %dma_wait3A_243, %add3A, %dma_wait3A_244, %dma_wait3A_245] : memref<200x8x32x8x128xf32, #tpu.memory_space<hbm>> -> memref<1x8x1x8x128xf32, #tpu.memory_space<hbm>>
    %dma_wait3A_247 = tpu.memref_squeeze %dma_wait3A_246 : memref<1x8x1x8x128xf32, #tpu.memory_space<hbm>> -> memref<8x8x128xf32, #tpu.memory_space<hbm>>
    %dma_wait3A_248 = arith.constant 0 : i32
    %dma_wait3A_249 = arith.constant 0 : i32
    %dma_wait3A_250 = arith.constant 0 : i32
    %dma_wait3A_251 = tpu.memref_slice %arg4[%dma_wait3A, %dma_wait3A_248, %add3A, %dma_wait3A_249, %dma_wait3A_250] : memref<200x8x32x8x128xf32, #tpu.memory_space<hbm>> -> memref<1x8x1x8x128xf32, #tpu.memory_space<hbm>>
    %dma_wait3A_252 = tpu.memref_squeeze %dma_wait3A_251 : memref<1x8x1x8x128xf32, #tpu.memory_space<hbm>> -> memref<8x8x128xf32, #tpu.memory_space<hbm>>
    %dma_wait3A_253 = arith.constant 0 : i32
    %dma_wait3A_254 = arith.constant 0 : i32
    %dma_wait3A_255 = arith.constant 0 : i32
    %dma_wait3A_256 = tpu.memref_slice %arg8[%dma_wait3A_253, %dma_wait3A_254, %dma_wait3A_255] : memref<8x8x129xf32, #tpu.memory_space<vmem>> -> memref<8x8x128xf32, #tpu.memory_space<vmem>>
    tpu.wait_dma2 semaphore(%arg12 : memref<!tpu.dma_semaphore, #tpu.memory_space<semaphore_mem>>) src(%dma_wait3A_256 : memref<8x8x128xf32, #tpu.memory_space<vmem>>) dst(%dma_wait3A_252 : memref<8x8x128xf32, #tpu.memory_space<hbm>>)
    %dma_wait3A_257 = arith.constant 0 : i32
    %dma_wait3A_258 = arith.constant 0 : i32
    %dma_wait3A_259 = arith.constant 0 : i32
    %dma_wait3A_260 = arith.constant 0 : i32
    %dma_wait3A_261 = tpu.memref_slice %arg9[%dma_wait3A_258, %dma_wait3A_259, %dma_wait3A_260] : memref<8x8x129xf32, #tpu.memory_space<vmem>> -> memref<8x8x128xf32, #tpu.memory_space<vmem>>
    %dma_wait3A_262 = arith.constant 0 : i32
    %dma_wait3A_263 = arith.constant 0 : i32
    %dma_wait3A_264 = arith.constant 0 : i32
    %dma_wait3A_265 = tpu.memref_slice %arg4[%dma_wait3A_257, %dma_wait3A_262, %add3A, %dma_wait3A_263, %dma_wait3A_264] : memref<200x8x32x8x128xf32, #tpu.memory_space<hbm>> -> memref<1x8x1x8x128xf32, #tpu.memory_space<hbm>>
    %dma_wait3A_266 = tpu.memref_squeeze %dma_wait3A_265 : memref<1x8x1x8x128xf32, #tpu.memory_space<hbm>> -> memref<8x8x128xf32, #tpu.memory_space<hbm>>
    %dma_wait3A_267 = arith.constant 0 : i32
    %dma_wait3A_268 = arith.constant 0 : i32
    %dma_wait3A_269 = arith.constant 0 : i32
    %dma_wait3A_270 = tpu.memref_slice %arg4[%dma_wait3A_257, %dma_wait3A_267, %add3A, %dma_wait3A_268, %dma_wait3A_269] : memref<200x8x32x8x128xf32, #tpu.memory_space<hbm>> -> memref<1x8x1x8x128xf32, #tpu.memory_space<hbm>>
    %dma_wait3A_271 = tpu.memref_squeeze %dma_wait3A_270 : memref<1x8x1x8x128xf32, #tpu.memory_space<hbm>> -> memref<8x8x128xf32, #tpu.memory_space<hbm>>
    %dma_wait3A_272 = arith.constant 0 : i32
    %dma_wait3A_273 = arith.constant 0 : i32
    %dma_wait3A_274 = arith.constant 0 : i32
    %dma_wait3A_275 = tpu.memref_slice %arg9[%dma_wait3A_272, %dma_wait3A_273, %dma_wait3A_274] : memref<8x8x129xf32, #tpu.memory_space<vmem>> -> memref<8x8x128xf32, #tpu.memory_space<vmem>>
    tpu.wait_dma2 semaphore(%arg13 : memref<!tpu.dma_semaphore, #tpu.memory_space<semaphore_mem>>) src(%dma_wait3A_275 : memref<8x8x128xf32, #tpu.memory_space<vmem>>) dst(%dma_wait3A_271 : memref<8x8x128xf32, #tpu.memory_space<hbm>>)
    return
  }
}

</mosaic_0001>

<sc_bundles>
// kernel: kernel.3.cloned.1.call-start
scs
__scs_entry_jumppad:
0x0: {  	(pc) =	sbr.rel $0x88, $3  }
0x1: {  	(tag) =	ssettag $0x0;
	lr =	simm.s32 $0x1  }
0x2: {  	[smem:$0x3F9F] =	sst lr;
	_ =	strace $0xD0000000  }
0x3: {  	_ = 	snop  }
0x4: {  	_ = 	snop  }
0x5: {  	_ = 	snop  }
0x6: {  	_ = 	snop  }
0x7: {  	_ = 	snop  }
__scs_overlays_trampoline_lowered:
0x8: {  	[smem:$0x3FAE] =	sst s0  }
0x9: {  	[smem:$0x3FAF] =	sst s1  }
0xa: {  	[smem:$0x3FB0] =	sst s2  }
0xb: {  	[smem:$0x3FB1] =	sst s3  }
0xc: {  	[smem:$0x3FB2] =	sst s4  }
0xd: {  	[smem:$0x3FB3] =	sst s5  }
0xe: {  	[smem:$0x3FB4] =	sst s6  }
0xf: {  	[smem:$0x3FB5] =	sst s7  }
0x10: {  	[smem:$0x3FB6] =	sst s8  }
0x11: {  	[smem:$0x3FB7] =	sst s9;
	s0 =	simm.s32 @!p0 $0x0  }
0x12: {  	s1 =	sld [smem:$0x3F9D];
	s0 =	simm.s32 @p0 $0x1  }
0x13: {  	[smem:$0x3FB8] =	sst s0;
	s0 =	simm.s32 @!p1 $0x0  }
0x14: {  	s2 =	sld [smem:$0x3F9C];
	s0 =	simm.s32 @p1 $0x1  }
0x15: {  	[smem:$0x3FB9] =	sst s0;
	s0 =	simm.s32 @!p2 $0x0  }
0x16: {  	s3 =	sld [smem:$0x3FDB];
	s0 =	simm.s32 @p2 $0x1  }
0x17: {  	s4 =	simm.s32 $0x1BF5;
	[smem:$0x3FBB] =	sst s0  }
0x18: {  	s0 =	sld [smem:$0x3F9E];
	_ =	swait.ge [sflag:s4], $0x0  }
0x19: {  	s7 =	sld [smem:$0x3F9F]  }
0x1a: {  	s8 =	sadd.s32 $0xFFFFE003, lr  }
0x1b: {  	s9 =	sadd.s32 $0xFFFFFEF7, lr;
	s5 =	simm.s32 $0xFFFFFFFF;
	p2 =	slt.u32 s8, $0xFFFFF086  }
0x1c: {  	p1 =	slt.u32 s9, $0xF7A;
	s5 =	simm.s32 @!p2 $0x0  }
0x1d: {  	s5 =	simm.s32 @p1 $0x1;
	p0 =	seq.s32 s7, s2  }
0x1e: {  	s7 =	smul.u32 @!p0 $0xF7A, s2;
	p2 =	seq.s32 @!p0 s5, $0x0  }
0x1f: {  	s9 =	smul.u32 $0xF7A, s1;
	s8 =	simm.s32 @!p0 $0x1BF5;
	p2 =	por !p2, p0  }
0x20: {  	[sflag:s8] =	ssyncset.s32 @!p0 $0xFFFFF086;
	s6 =	sadd.s32 @!p0 s3, s7;
	s7 =	simm.s32 @!p0 $0x108  }
0x21: {  	s3 =	sadd.s32 s3, s9;
	s6 =	sadd.s32 @!p0 $0x88, s6;
	s7 =	simm.s32 @p2 $0x1082  }
0x22: {  	[simem:s7], [sflag:s8] =	dma.local @!p0 [hbm:s6], $0xF7A  }
0x23: {  	s9 =	sor.u32 $0xD0000000, s2;
	s6 =	simm.s32 $0x108;
	_ =	swait.ge @!p0 [sflag:s8], $0x0  }
0x24: {  	s3 =	sadd.s32 $0x88, s3;
	s6 =	simm.s32 @!p1 $0x1082;
	[sflag:s4] =	ssyncset.s32 $0xFFFFF086  }
0x25: {  	[simem:s6], [sflag:s4] =	dma.local [hbm:s3], $0xF7A  }
0x26: {  	[smem:$0x3F9F] =	sst s1;
	(tag) =	ssettag s2;
	_ =	strace s9  }
0x27: {  	s1 =	sld [smem:$0x3FAF]  }
0x28: {  	s2 =	sld [smem:$0x3FB0]  }
0x29: {  	s4 =	sld [smem:$0x3FB2]  }
0x2a: {  	p0 =	seq.s32 s5, $0x0;
	s5 =	sld [smem:$0x3FB3]  }
0x2b: {  	s6 =	sld [smem:$0x3FB4]  }
0x2c: {  	s7 =	sld [smem:$0x3FB5]  }
0x2d: {  	s3 =	simm.s32 $0x108;
	s8 =	sld [smem:$0x3FB6]  }
0x2e: {  	s3 =	simm.s32 @!p0 $0x1082;
	s9 =	sld [smem:$0x3FB7]  }
0x2f: {  	lr =	sadd.s32 s0, s3;
	s0 =	sld [smem:$0x3FAE]  }
0x30: {  	s3 =	sld [smem:$0x3FB1]  }
0x31: {  	[smem:$0x3FBA] =	sst s10  }
0x32: {  	s10 =	sld [smem:$0x3FB8];
	_ =	sdelay $0x3  }
0x33: {  	p0 =	seq.s32 s10, $0x1;
	s10 =	sld [smem:$0x3FBA];
	_ =	sdelay $0x3  }
0x34: {  	[smem:$0x3FBA] =	sst s10  }
0x35: {  	s10 =	sld [smem:$0x3FB9];
	_ =	sdelay $0x3  }
0x36: {  	p1 =	seq.s32 s10, $0x1;
	s10 =	sld [smem:$0x3FBA];
	_ =	sdelay $0x3  }
0x37: {  	[smem:$0x3FBA] =	sst s10  }
0x38: {  	s10 =	sld [smem:$0x3FBB]  }
0x39: {  	_ = 	snop;
	(pc) =	sbr.ind lr, $3  }
0x3a: {  	_ = 	snop  }
0x3b: {  	_ = 	snop  }
0x3c: {  	p2 =	seq.s32 s10, $0x1;
	s10 =	sld [smem:$0x3FBA]  }
0x3d: {  	_ =	shalt  }
0x3e: {  	_ =	shalt  }
0x3f: {  	_ =	shalt  }
0x40: {  	_ =	shalt  }
0x41: {  	_ =	shalt  }
0x42: {  	_ =	shalt  }
0x43: {  	_ =	shalt  }
0x44: {  	_ =	shalt  }
0x45: {  	_ =	shalt  }
0x46: {  	_ =	shalt  }
0x47: {  	_ =	shalt  }
0x48: {  	_ =	shalt  }
0x49: {  	_ =	shalt  }
0x4a: {  	_ =	shalt  }
0x4b: {  	_ =	shalt  }
0x4c: {  	_ =	shalt  }
0x4d: {  	_ =	shalt  }
0x4e: {  	_ =	shalt  }
0x4f: {  	_ =	shalt  }
0x50: {  	_ =	shalt  }
0x51: {  	_ =	shalt  }
0x52: {  	_ =	shalt  }
0x53: {  	_ =	shalt  }
0x54: {  	_ =	shalt  }
0x55: {  	_ =	shalt  }
0x56: {  	_ =	shalt  }
0x57: {  	_ =	shalt  }
0x58: {  	_ =	shalt  }
0x59: {  	_ =	shalt  }
0x5a: {  	_ =	shalt  }
0x5b: {  	_ =	shalt  }
0x5c: {  	_ =	shalt  }
0x5d: {  	_ =	shalt  }
0x5e: {  	_ =	shalt  }
0x5f: {  	_ =	shalt  }
0x60: {  	_ =	shalt  }
0x61: {  	_ =	shalt  }
0x62: {  	_ =	shalt  }
0x63: {  	_ =	shalt  }
0x64: {  	_ =	shalt  }
0x65: {  	_ =	shalt  }
0x66: {  	_ =	shalt  }
0x67: {  	_ =	shalt  }
0x68: {  	_ =	shalt  }
0x69: {  	_ =	shalt  }
0x6a: {  	_ =	shalt  }
0x6b: {  	_ =	shalt  }
0x6c: {  	_ =	shalt  }
0x6d: {  	_ =	shalt  }
0x6e: {  	_ =	shalt  }
0x6f: {  	_ =	shalt  }
0x70: {  	_ =	shalt  }
0x71: {  	_ =	shalt  }
0x72: {  	_ =	shalt  }
0x73: {  	_ =	shalt  }
0x74: {  	_ =	shalt  }
0x75: {  	_ =	shalt  }
0x76: {  	_ =	shalt  }
0x77: {  	_ =	shalt  }
0x78: {  	_ =	shalt  }
0x79: {  	_ =	shalt  }
0x7a: {  	_ =	shalt  }
0x7b: {  	_ =	shalt  }
0x7c: {  	_ =	shalt  }
0x7d: {  	_ =	shalt  }
0x7e: {  	_ =	shalt  }
0x7f: {  	_ =	shalt  }
0x80: {  	_ =	shalt  }
0x81: {  	_ =	shalt  }
0x82: {  	_ =	shalt  }
0x83: {  	_ =	shalt  }
0x84: {  	_ =	shalt  }
0x85: {  	_ =	shalt  }
0x86: {  	_ =	shalt  }
0x87: {  	_ =	shalt  }
.Lfunc_end0:
.L_simem_size_0:
called_computation_lowered:
.L_overlay_start_0:
0x88: {  	s2 =	sld [smem:$0x3FD9]  }
0x89: {  	s3 =	sld [smem:$0x3FFE];
	_ =	sdelay $0x1  }
0x8a: {  	s1 =	srdreg.scid  }
0x8b: {  	s0 =	sand.u32 $0x1, s1  }
0x8c: {  	s17 =	sshll.u32 s0, $0xA;
	s2 =	sadd.s32 s3, s2  }
0x8d: {  	s2 =	sadd.s32 s2, s17  }
0x8e: {  	[smem:$0x3FC6] =	sst s2  }
0x8f: {  	_ = 	snop  }
0x90: {  	s2 =	sld [smem:$0x3FD0];
	(tm) =	ssettm $0x1  }
0x91: {  	s18 =	sld [smem:$0x3FFB];
	_ =	sdelay $0x3  }
0x92: {  	_ =	strace s18  }
0x93: {  	s3 =	sld [smem:$0x3FFC];
	_ =	sdelay $0x3  }
0x94: {  	_ =	strace s3  }
0x95: {  	s3 =	sld [smem:$0x3FFD];
	_ =	sdelay $0x3  }
0x96: {  	_ =	strace s3  }
0x97: {  	_ =	strace $0x8FFFFFFF  }
0x98: {  	s19 =	sld [smem:$0x3FDB];
	_ =	sdelay $0x1  }
0x99: {  	s4 =	simm.s32 $_scs_section_size  }
0x9a: {  	s5 =	simm.s32 $_size__tile_overlayer_lowered;
	s6 =	simm.s32 $_tile_overlayer_lowered  }
0x9b: {  	s22 =	simm.s32 $0x1BFF;
	s21 =	sshll.u32 s6, $0x1;
	s3 =	sadd.s32 s4, s19  }
0x9c: {  	s7 =	simm.s32 $0x0;
	s20 =	sshll.u32 s5, $0x1;
	s5 =	sadd.s32 s21, s3  }
0x9d: {  	[timem:s7], [sflag:s22] =	dma.local [hbm:s5], s20  }
0x9e: {  	_ =	swait.ge [sflag:s22], s20  }
0x9f: {  	s4 =	ssub.s32 $0x0, s20;
	[sflag:s22] =	ssyncset.done $0x0  }
0xa0: {  	[sflag:s22] =	ssyncadd.s32 s4;
	_ =	sdelay $0x1  }
0xa1: {  	s23 =	simm.s32 $0x1B8B  }
0xa2: {  	_ =	swait.ge [sflag:s23], $0x1  }
0xa3: {  	[sflag:s23] =	ssyncset.done $0x0  }
0xa4: {  	s25 =	simm.s32 $0x1B8E;
	s24 =	sld [smem:$0x3FFE];
	[sflag:s23] =	ssyncadd.s32 $0xFFFFFFFF  }
0xa5: {  	s26 =	simm.s32 $execute0_lowered;
	[smem:$0x3FD2] =	sst s25  }
0xa6: {  	s5 =	sshll.u32 s26, $0x1;
	_ =	strace $0x80000046;
	[dreg:$0x1] =	wrdreg $0xFFFFFFFF  }
0xa7: {  	s28 =	simm.s32 $_size_execute0_lowered;
	s3 =	sadd.s32 s3, s5;
	[dreg:$0x0] =	wrdreg $0x0  }
0xa8: {  	s5 =	sshll.u32 s28, $0x1;
	[dreg:$0x2] =	wrdreg s3  }
0xa9: {  	[dreg:$0x3] =	wrdreg s5  }
0xaa: {  	[dreg:$0x4] =	wrdreg $0xC0  }
0xab: {  	_ =	task [dreg:s7], $0x5FFFF  }
0xac: {  	[dreg:$0x1] =	wrdreg $0xFFFFFFFF  }
0xad: {  	[dreg:$0x0] =	wrdreg $0x60  }
0xae: {  	[dreg:$0x2] =	wrdreg s24  }
0xaf: {  	[dreg:$0x3] =	wrdreg s2  }
0xb0: {  	[dreg:$0x4] =	wrdreg $0x9  }
0xb1: {  	_ =	task.clear_ibuf [dreg:s7], $0x5FFFF;
	_ =	strace $0x90000046  }
0xb2: {  	s29 =	simm.s32 $0x9;
	_ =	strace $0x80000048  }
0xb3: {  	_ =	swait.ge [sflag:s29], $0x1  }
0xb4: {  	[sflag:s29] =	ssyncadd.s32 $0xFFFFFFFF  }
0xb5: {  	_ =	strace $0x90000048  }
0xb6: {  	_ =	sfence  }
0xb7: {  	s30 =	sld [smem:$0x0];
	_ =	sdelay $0x2  }
0xb8: {  	s31 =	sshll.u32 s1, $0xD;
	s1 =	sshrl.u32 s1, $0x2  }
0xb9: {  	s3 =	sand.u32 $0x4000, s31;
	s1 =	sadd.s32 s1, s30  }
0xba: {  	s0 =	sor.u32 s3, s0;
	s1 =	sshll.u32 s1, $0x11  }
0xbb: {  	s0 =	sor.u32 s1, s0  }
0xbc: {  	s0 =	sadd.s32 $0x8F2B, s0  }
0xbd: {  	[sflag:s0] =	ssyncadd.remote.s32 $0x1  }
0xbe: {  	_ =	sfence.sel $0xFFFF  }
0xbf: {  	[dreg:$0x0] =	wrdreg $0xFFFFFFFF;
	(pc) =	sbr.abs _section_cstart, $3  }
0xc0: {  	[dreg:$0x1] =	wrdreg $0xFFFFFFFF  }
0xc1: {  	_ =	task.clear_ibuf [dreg:s7], $0x2FFFF;
	_ =	strace $0x9FFFFFFF  }
0xc2: {  	(tm) =	ssettm $0x7FFFFFFF  }
0xc3: {  	_ =	shalt  }
tec
execute0_lowered:
.L_overlay_start_1:
0x0: {  	(tag) =	ssettag $0x1  }
0x1: {  	v0 =	vlaneseq.u32  }
0x2: {  	s4 =	rddreg [dreg:$0x0];
	v0 =	vmul.u32 $0x88, v0  }
0x3: {  	s1 =	rddreg [dreg:$0x1];
	v1 =	vimm.s32 $0x0;
	vm0 =	vcmask $0x300  }
0x4: {  	s0 =	rddreg [dreg:$0x2];
	v1 =	vsel vm0, $0x3, v1;
	v2 =	vadd.s32 $0x880, v0  }
0x5: {  	s5 =	srdreg.scid;
	s2 =	stileid.u32;
	v3 =	vadd.s32 $0x1100, v0;
	v4 =	vadd.s32 $0x1980, v0;
	v5 =	vor.u32 $0x1, v0  }
0x6: {  	s3 =	simm.s32 $0x0;
	s9 =	simm.s32 $0x1000;
	s10 =	simm.s32 $0x5;
	v6 =	vadd.s32 $0x881, v0;
	v7 =	vadd.s32 $0x1101, v0;
	v8 =	vadd.s32 $0x1981, v0  }
0x7: {  	s11 =	simm.s32 $0x6400;
	s12 =	simm.s32 $0x8400;
	s13 =	simm.s32 $0x1;
	v9 =	vor.u32 $0x2, v0;
	v10 =	vadd.s32 $0x882, v0;
	v11 =	vadd.s32 $0x1102, v0  }
0x8: {  	s14 =	simm.s32 $0xA400;
	s15 =	simm.s32 $0x2;
	s16 =	simm.s32 $0xC600;
	v12 =	vadd.s32 $0x1982, v0;
	v13 =	vor.u32 $0x3, v0;
	v14 =	vadd.s32 $0x883, v0  }
0x9: {  	s17 =	simm.s32 $0x3;
	s18 =	simm.s32 $0x4;
	s19 =	simm.s32 $0x0;
	v15 =	vadd.s32 $0x1103, v0;
	v16 =	vadd.s32 $0x1983, v0;
	v17 =	vor.u32 $0x4, v0  }
0xa: {  	s5 =	sand.u32 $0x1, s5;
	s6 =	sshll.u32 s2, $0x1;
	[smem:$0x7FF] =	sst s3;
	v18 =	vadd.s32 $0x884, v0;
	v19 =	vadd.s32 $0x1104, v0;
	v20 =	vadd.s32 $0x1984, v0  }
0xb: {  	s6 =	sor.u32 s5, s6;
	s5 =	ssub.s32 $0x2, s5;
	_ =	strace $0x80000047;
	v21 =	vor.u32 $0x5, v0;
	v22 =	vadd.s32 $0x885, v0;
	v23 =	vadd.s32 $0x1105, v0  }
0xc: {  	s7 =	sshll.u32 s6, $0x4;
	s8 =	sshrl.u32 s5, $0x1;
	s6 =	sshll.u32 s6, $0xA;
	v24 =	vadd.s32 $0x1985, v0;
	v25 =	vor.u32 $0x6, v0;
	v26 =	vadd.s32 $0x886, v0  }
0xd: {  	v27 =	vadd.s32 $0x1106, v0;
	v28 =	vadd.s32 $0x1986, v0;
	v29 =	vor.u32 $0x7, v0;
	s7 =	sadd.s32 s7, s4;
	s4 =	sadd.s32 $0xF42A00, s4;
	s8 =	ssub.s32 s5, s8  }
0xe: {  	v30 =	vadd.s32 $0x887, v0;
	v31 =	vadd.s32 $0x1107, v0;
	v32 =	vadd.s32 $0x1987, v0;
	s5 =	sadd.s32 $0x600, s7;
	s7 =	smax.u32 s8, $0x1;
	s8 =	simm.s32 $0x80  }
.LBB2_1:
0xf: {  	[tilespmem:s3], [sflag:$0x5] =	stream.strided.gather [hbm4b:s5+s8], $0x6400, s9, s8, $0x38;
	[tilespmem:$0xE800] =	vst v63  }
0x10: {  	_ =	swait.ge [sflag:s10], $0x6400  }
0x11: {  	[sflag:s10] =	ssyncset.done $0x0  }
0x12: {  	s20 =	simm.s32 $0x0;
	[sflag:s10] =	ssyncadd.s32 $0xFFFF9C00  }
0x13: {  	[tilespmem:s11], [sflag:$0x1] =	stream.indirect.gather [hbm4b:s4+s8], $0x40, s3, s8, $0xb8;
	[tilespmem:$0xE800] =	vst v63  }
.LBB2_2:
0x14: {  	p0 =	seq.s32 s20, $0x0  }
0x15: {  	s22 =	simm.s32 @!p0 $0x4  }
0x16: {  	s21 =	sshllo.u32 s20, $0x1;
	_ =	swait.ge @!p0 [sflag:s22], $0x2000  }
0x17: {  	s23 =	sshll.u32 s21, $0x7;
	[sflag:s22] =	ssyncset.done @!p0 $0x0  }
0x18: {  	s31 =	sand.u32 $0x3FFFFF80, s23;
	s23 =	simm.s32 $0x0;
	[sflag:s22] =	ssyncadd.s32 @!p0 $0xFFFFE000  }
0x19: {  	[tilespmem:s12], [sflag:$0x2] =	stream.indirect.gather [hbm4b:s4+s8], $0x40, s31, s8, $0xb8;
	[tilespmem:$0xE800] =	vst v63  }
0x1a: {  	v33 =	vmov s23;
	_ =	swait.ge [sflag:s13], $0x2000  }
0x1b: {  	v33 =	vshrl.u32 v33, $0x3;
	[sflag:s13] =	ssyncset.done $0x0  }
0x1c: {  	s22 =	simm.s32 $0x6500;
	v33 =	vshll.u32 v33, v1;
	[sflag:s13] =	ssyncadd.s32 $0xFFFFE000  }
0x1d: {  	v33 =	vbroadcast v33, $0x0;
	v34 =	vld [tilespmem:s22+$0xFFFFFF00];
	_ =	sdelay $0x1  }
0x1e: {  	v35 =	vadd.s32 v0, v33;
	_ =	sdelay $0x2  }
0x1f: {  	v34 =	vmul.f32 $8.000000000e+00, v34;
	_ =	sdelay $0x1  }
0x20: {  	[tilespmem:v35+s14+$0x0] =	vst.idx.msk $0xffff, v34  }
0x21: {  	v34 =	vld [tilespmem:s22+$0xFFFFFF10];
	_ =	sdelay $0x1  }
0x22: {  	v54 =	vadd.s32 v2, v33;
	_ =	sdelay $0x2  }
0x23: {  	v34 =	vmul.f32 $8.000000000e+00, v34;
	_ =	sdelay $0x1  }
0x24: {  	[tilespmem:v54+s14+$0x0] =	vst.idx.msk $0xffff, v34  }
0x25: {  	v34 =	vld [tilespmem:s22+$0xFFFFFF20];
	_ =	sdelay $0x1  }
0x26: {  	v55 =	vadd.s32 v3, v33;
	_ =	sdelay $0x2  }
0x27: {  	v34 =	vmul.f32 $8.000000000e+00, v34;
	_ =	sdelay $0x1  }
0x28: {  	[tilespmem:v55+s14+$0x0] =	vst.idx.msk $0xffff, v34  }
0x29: {  	v34 =	vld [tilespmem:s22+$0xFFFFFF30];
	_ =	sdelay $0x1  }
0x2a: {  	v33 =	vadd.s32 v4, v33;
	_ =	sdelay $0x1  }
0x2b: {  	s24 =	simm.s32 $0x1  }
0x2c: {  	v56 =	vmov s24;
	v34 =	vmul.f32 $8.000000000e+00, v34  }
0x2d: {  	v35 =	vshrl.u32 v56, $0x3  }
0x2e: {  	v57 =	vshll.u32 v35, v1;
	[tilespmem:v33+s14+$0x0] =	vst.idx.msk $0xffff, v34  }
0x2f: {  	v33 =	vbroadcast v57, $0x0;
	v34 =	vld [tilespmem:s22+$0xFFFFFF40];
	_ =	sdelay $0x1  }
0x30: {  	v58 =	vadd.s32 v5, v33;
	_ =	sdelay $0x2  }
0x31: {  	v34 =	vmul.f32 $8.000000000e+00, v34;
	_ =	sdelay $0x1  }
0x32: {  	[tilespmem:v58+s14+$0x0] =	vst.idx.msk $0xffff, v34  }
0x33: {  	v34 =	vld [tilespmem:s22+$0xFFFFFF50];
	_ =	sdelay $0x1  }
0x34: {  	v59 =	vadd.s32 v6, v33;
	_ =	sdelay $0x2  }
0x35: {  	v34 =	vmul.f32 $8.000000000e+00, v34;
	_ =	sdelay $0x1  }
0x36: {  	[tilespmem:v59+s14+$0x0] =	vst.idx.msk $0xffff, v34  }
0x37: {  	v34 =	vld [tilespmem:s22+$0xFFFFFF60];
	_ =	sdelay $0x1  }
0x38: {  	v60 =	vadd.s32 v7, v33;
	_ =	sdelay $0x2  }
0x39: {  	v34 =	vmul.f32 $8.000000000e+00, v34;
	_ =	sdelay $0x1  }
0x3a: {  	[tilespmem:v60+s14+$0x0] =	vst.idx.msk $0xffff, v34  }
0x3b: {  	v34 =	vld [tilespmem:s22+$0xFFFFFF70];
	_ =	sdelay $0x1  }
0x3c: {  	v33 =	vadd.s32 v8, v33;
	_ =	sdelay $0x1  }
0x3d: {  	s25 =	simm.s32 $0x2  }
0x3e: {  	v61 =	vmov s25;
	v34 =	vmul.f32 $8.000000000e+00, v34  }
0x3f: {  	v35 =	vshrl.u32 v61, $0x3  }
0x40: {  	v62 =	vshll.u32 v35, v1;
	[tilespmem:v33+s14+$0x0] =	vst.idx.msk $0xffff, v34  }
0x41: {  	v33 =	vbroadcast v62, $0x0;
	v34 =	vld [tilespmem:s22+$0xFFFFFF80];
	_ =	sdelay $0x1  }
0x42: {  	v63 =	vadd.s32 v9, v33;
	_ =	sdelay $0x2  }
0x43: {  	v34 =	vmul.f32 $8.000000000e+00, v34;
	_ =	sdelay $0x1  }
0x44: {  	[tilespmem:v63+s14+$0x0] =	vst.idx.msk $0xffff, v34  }
0x45: {  	v34 =	vld [tilespmem:s22+$0xFFFFFF90];
	_ =	sdelay $0x1  }
0x46: {  	v36 =	vadd.s32 v10, v33;
	_ =	sdelay $0x2  }
0x47: {  	v34 =	vmul.f32 $8.000000000e+00, v34;
	_ =	sdelay $0x1  }
0x48: {  	[tilespmem:v36+s14+$0x0] =	vst.idx.msk $0xffff, v34  }
0x49: {  	v34 =	vld [tilespmem:s22+$0xFFFFFFA0];
	_ =	sdelay $0x1  }
0x4a: {  	v37 =	vadd.s32 v11, v33;
	_ =	sdelay $0x2  }
0x4b: {  	v34 =	vmul.f32 $8.000000000e+00, v34;
	_ =	sdelay $0x1  }
0x4c: {  	[tilespmem:v37+s14+$0x0] =	vst.idx.msk $0xffff, v34  }
0x4d: {  	v34 =	vld [tilespmem:s22+$0xFFFFFFB0];
	_ =	sdelay $0x1  }
0x4e: {  	v33 =	vadd.s32 v12, v33;
	_ =	sdelay $0x1  }
0x4f: {  	s26 =	simm.s32 $0x3  }
0x50: {  	v38 =	vmov s26;
	v34 =	vmul.f32 $8.000000000e+00, v34  }
0x51: {  	v35 =	vshrl.u32 v38, $0x3  }
0x52: {  	v39 =	vshll.u32 v35, v1;
	[tilespmem:v33+s14+$0x0] =	vst.idx.msk $0xffff, v34  }
0x53: {  	v33 =	vbroadcast v39, $0x0;
	v34 =	vld [tilespmem:s22+$0xFFFFFFC0];
	_ =	sdelay $0x1  }
0x54: {  	v40 =	vadd.s32 v13, v33;
	_ =	sdelay $0x2  }
0x55: {  	v34 =	vmul.f32 $8.000000000e+00, v34;
	_ =	sdelay $0x1  }
0x56: {  	[tilespmem:v40+s14+$0x0] =	vst.idx.msk $0xffff, v34  }
0x57: {  	v34 =	vld [tilespmem:s22+$0xFFFFFFD0];
	_ =	sdelay $0x1  }
0x58: {  	v41 =	vadd.s32 v14, v33;
	_ =	sdelay $0x2  }
0x59: {  	v34 =	vmul.f32 $8.000000000e+00, v34;
	_ =	sdelay $0x1  }
0x5a: {  	[tilespmem:v41+s14+$0x0] =	vst.idx.msk $0xffff, v34  }
0x5b: {  	v34 =	vld [tilespmem:s22+$0xFFFFFFE0];
	_ =	sdelay $0x1  }
0x5c: {  	v42 =	vadd.s32 v15, v33;
	_ =	sdelay $0x2  }
0x5d: {  	v34 =	vmul.f32 $8.000000000e+00, v34;
	_ =	sdelay $0x1  }
0x5e: {  	[tilespmem:v42+s14+$0x0] =	vst.idx.msk $0xffff, v34  }
0x5f: {  	v34 =	vld [tilespmem:s22+$0xFFFFFFF0];
	_ =	sdelay $0x1  }
0x60: {  	v33 =	vadd.s32 v16, v33;
	_ =	sdelay $0x1  }
0x61: {  	s28 =	simm.s32 $0x4  }
0x62: {  	v43 =	vmov s28;
	v34 =	vmul.f32 $8.000000000e+00, v34  }
0x63: {  	v35 =	vshrl.u32 v43, $0x3  }
0x64: {  	v44 =	vshll.u32 v35, v1;
	[tilespmem:v33+s14+$0x0] =	vst.idx.msk $0xffff, v34  }
0x65: {  	v33 =	vbroadcast v44, $0x0;
	v34 =	vld [tilespmem:s22+$0x0];
	_ =	sdelay $0x1  }
0x66: {  	v45 =	vadd.s32 v17, v33;
	_ =	sdelay $0x2  }
0x67: {  	v34 =	vmul.f32 $8.000000000e+00, v34;
	_ =	sdelay $0x1  }
0x68: {  	[tilespmem:v45+s14+$0x0] =	vst.idx.msk $0xffff, v34  }
0x69: {  	v34 =	vld [tilespmem:s22+$0x10];
	_ =	sdelay $0x1  }
0x6a: {  	v46 =	vadd.s32 v18, v33;
	_ =	sdelay $0x2  }
0x6b: {  	v34 =	vmul.f32 $8.000000000e+00, v34;
	_ =	sdelay $0x1  }
0x6c: {  	[tilespmem:v46+s14+$0x0] =	vst.idx.msk $0xffff, v34  }
0x6d: {  	v34 =	vld [tilespmem:s22+$0x20];
	_ =	sdelay $0x1  }
0x6e: {  	v47 =	vadd.s32 v19, v33;
	_ =	sdelay $0x2  }
0x6f: {  	v34 =	vmul.f32 $8.000000000e+00, v34;
	_ =	sdelay $0x1  }
0x70: {  	[tilespmem:v47+s14+$0x0] =	vst.idx.msk $0xffff, v34  }
0x71: {  	v34 =	vld [tilespmem:s22+$0x30];
	_ =	sdelay $0x1  }
0x72: {  	v33 =	vadd.s32 v20, v33;
	_ =	sdelay $0x1  }
0x73: {  	s29 =	simm.s32 $0x5  }
0x74: {  	v48 =	vmov s29;
	v34 =	vmul.f32 $8.000000000e+00, v34  }
0x75: {  	v35 =	vshrl.u32 v48, $0x3  }
0x76: {  	v49 =	vshll.u32 v35, v1;
	[tilespmem:v33+s14+$0x0] =	vst.idx.msk $0xffff, v34  }
0x77: {  	v33 =	vbroadcast v49, $0x0;
	v34 =	vld [tilespmem:s22+$0x40];
	_ =	sdelay $0x1  }
0x78: {  	v50 =	vadd.s32 v21, v33;
	_ =	sdelay $0x2  }
0x79: {  	v34 =	vmul.f32 $8.000000000e+00, v34;
	_ =	sdelay $0x1  }
0x7a: {  	[tilespmem:v50+s14+$0x0] =	vst.idx.msk $0xffff, v34  }
0x7b: {  	v34 =	vld [tilespmem:s22+$0x50];
	_ =	sdelay $0x1  }
0x7c: {  	v51 =	vadd.s32 v22, v33;
	_ =	sdelay $0x2  }
0x7d: {  	v34 =	vmul.f32 $8.000000000e+00, v34;
	_ =	sdelay $0x1  }
0x7e: {  	[tilespmem:v51+s14+$0x0] =	vst.idx.msk $0xffff, v34  }
0x7f: {  	v34 =	vld [tilespmem:s22+$0x60];
	_ =	sdelay $0x1  }
0x80: {  	v52 =	vadd.s32 v23, v33;
	_ =	sdelay $0x2  }
0x81: {  	v34 =	vmul.f32 $8.000000000e+00, v34;
	_ =	sdelay $0x1  }
0x82: {  	[tilespmem:v52+s14+$0x0] =	vst.idx.msk $0xffff, v34  }
0x83: {  	v34 =	vld [tilespmem:s22+$0x70];
	_ =	sdelay $0x1  }
0x84: {  	v33 =	vadd.s32 v24, v33;
	_ =	sdelay $0x1  }
0x85: {  	s30 =	simm.s32 $0x6  }
0x86: {  	v53 =	vmov s30;
	v34 =	vmul.f32 $8.000000000e+00, v34  }
0x87: {  	v35 =	vshrl.u32 v53, $0x3  }
0x88: {  	v54 =	vshll.u32 v35, v1;
	[tilespmem:v33+s14+$0x0] =	vst.idx.msk $0xffff, v34  }
0x89: {  	v33 =	vbroadcast v54, $0x0;
	v34 =	vld [tilespmem:s22+$0x80];
	_ =	sdelay $0x1  }
0x8a: {  	v55 =	vadd.s32 v25, v33;
	_ =	sdelay $0x2  }
0x8b: {  	v34 =	vmul.f32 $8.000000000e+00, v34;
	_ =	sdelay $0x1  }
0x8c: {  	[tilespmem:v55+s14+$0x0] =	vst.idx.msk $0xffff, v34  }
0x8d: {  	v34 =	vld [tilespmem:s22+$0x90];
	_ =	sdelay $0x1  }
0x8e: {  	v56 =	vadd.s32 v26, v33;
	_ =	sdelay $0x2  }
0x8f: {  	v34 =	vmul.f32 $8.000000000e+00, v34;
	_ =	sdelay $0x1  }
0x90: {  	[tilespmem:v56+s14+$0x0] =	vst.idx.msk $0xffff, v34  }
0x91: {  	v34 =	vld [tilespmem:s22+$0xA0];
	_ =	sdelay $0x1  }
0x92: {  	v57 =	vadd.s32 v27, v33;
	_ =	sdelay $0x2  }
0x93: {  	v34 =	vmul.f32 $8.000000000e+00, v34;
	_ =	sdelay $0x1  }
0x94: {  	[tilespmem:v57+s14+$0x0] =	vst.idx.msk $0xffff, v34  }
0x95: {  	v34 =	vld [tilespmem:s22+$0xB0];
	_ =	sdelay $0x1  }
0x96: {  	v33 =	vadd.s32 v28, v33;
	_ =	sdelay $0x1  }
0x97: {  	s31 =	simm.s32 $0x7  }
0x98: {  	v58 =	vmov s31;
	v34 =	vmul.f32 $8.000000000e+00, v34  }
0x99: {  	v35 =	vshrl.u32 v58, $0x3  }
0x9a: {  	v59 =	vshll.u32 v35, v1;
	[tilespmem:v33+s14+$0x0] =	vst.idx.msk $0xffff, v34  }
0x9b: {  	v33 =	vbroadcast v59, $0x0;
	v34 =	vld [tilespmem:s22+$0xC0];
	_ =	sdelay $0x1  }
0x9c: {  	v60 =	vadd.s32 v29, v33;
	_ =	sdelay $0x2  }
0x9d: {  	v34 =	vmul.f32 $8.000000000e+00, v34;
	_ =	sdelay $0x1  }
0x9e: {  	[tilespmem:v60+s14+$0x0] =	vst.idx.msk $0xffff, v34  }
0x9f: {  	v34 =	vld [tilespmem:s22+$0xD0];
	_ =	sdelay $0x1  }
0xa0: {  	v61 =	vadd.s32 v30, v33;
	_ =	sdelay $0x2  }
0xa1: {  	v34 =	vmul.f32 $8.000000000e+00, v34;
	_ =	sdelay $0x1  }
0xa2: {  	[tilespmem:v61+s14+$0x0] =	vst.idx.msk $0xffff, v34  }
0xa3: {  	v34 =	vld [tilespmem:s22+$0xE0];
	_ =	sdelay $0x1  }
0xa4: {  	v62 =	vadd.s32 v31, v33;
	_ =	sdelay $0x2  }
0xa5: {  	v34 =	vmul.f32 $8.000000000e+00, v34;
	_ =	sdelay $0x1  }
0xa6: {  	[tilespmem:v62+s14+$0x0] =	vst.idx.msk $0xffff, v34  }
0xa7: {  	v34 =	vld [tilespmem:s22+$0xF0];
	_ =	sdelay $0x1  }
0xa8: {  	v33 =	vadd.s32 v32, v33  }
0xa9: {  	s23 =	simm.s32 $0x8  }
0xaa: {  	v63 =	vmov s23  }
0xab: {  	s24 =	simm.s32 $0x10;
	v35 =	vshrl.u32 v63, $0x3;
	v34 =	vmul.f32 $8.000000000e+00, v34  }
.LBB2_3:
0xac: {  	p0 =	slt.u32 s24, $0x78  }
0xad: {  	v35 =	vshll.u32 v35, v1;
	[tilespmem:v33+s14+$0x0] =	vst.idx.msk $0xffff, v34;
	s22 =	sadd.s32 $0x200, s22;
	s25 =	smov.u32 s24;
	s24 =	sadd.s32 $0x8, s24  }
0xae: {  	v33 =	vld [tilespmem:s22+$0xFFFFFF00];
	v34 =	vbroadcast v35, $0x0;
	_ =	sdelay $0x1  }
0xaf: {  	v35 =	vadd.s32 v0, v34;
	_ =	sdelay $0x2  }
0xb0: {  	v33 =	vmul.f32 $8.000000000e+00, v33;
	_ =	sdelay $0x1  }
0xb1: {  	[tilespmem:v35+s14+$0x0] =	vst.idx.msk $0xffff, v33  }
0xb2: {  	v33 =	vld [tilespmem:s22+$0xFFFFFF10];
	_ =	sdelay $0x1  }
0xb3: {  	v35 =	vadd.s32 v2, v34;
	_ =	sdelay $0x2  }
0xb4: {  	v33 =	vmul.f32 $8.000000000e+00, v33;
	_ =	sdelay $0x1  }
0xb5: {  	[tilespmem:v35+s14+$0x0] =	vst.idx.msk $0xffff, v33  }
0xb6: {  	v33 =	vld [tilespmem:s22+$0xFFFFFF20];
	_ =	sdelay $0x1  }
0xb7: {  	v35 =	vadd.s32 v3, v34;
	_ =	sdelay $0x2  }
0xb8: {  	v33 =	vmul.f32 $8.000000000e+00, v33;
	_ =	sdelay $0x1  }
0xb9: {  	[tilespmem:v35+s14+$0x0] =	vst.idx.msk $0xffff, v33  }
0xba: {  	v33 =	vld [tilespmem:s22+$0xFFFFFF30];
	_ =	sdelay $0x1  }
0xbb: {  	v34 =	vadd.s32 v4, v34;
	_ =	sdelay $0x1  }
0xbc: {  	s26 =	sadd.s32 $0x1, s23  }
0xbd: {  	v35 =	vmov s26;
	v33 =	vmul.f32 $8.000000000e+00, v33  }
0xbe: {  	v35 =	vshrl.u32 v35, $0x3  }
0xbf: {  	[tilespmem:v34+s14+$0x0] =	vst.idx.msk $0xffff, v33;
	v33 =	vshll.u32 v35, v1  }
0xc0: {  	v34 =	vld [tilespmem:s22+$0xFFFFFF40];
	v33 =	vbroadcast v33, $0x0;
	_ =	sdelay $0x1  }
0xc1: {  	v35 =	vadd.s32 v5, v33;
	_ =	sdelay $0x2  }
0xc2: {  	v34 =	vmul.f32 $8.000000000e+00, v34;
	_ =	sdelay $0x1  }
0xc3: {  	[tilespmem:v35+s14+$0x0] =	vst.idx.msk $0xffff, v34  }
0xc4: {  	v34 =	vld [tilespmem:s22+$0xFFFFFF50];
	_ =	sdelay $0x1  }
0xc5: {  	v35 =	vadd.s32 v6, v33;
	_ =	sdelay $0x2  }
0xc6: {  	v34 =	vmul.f32 $8.000000000e+00, v34;
	_ =	sdelay $0x1  }
0xc7: {  	[tilespmem:v35+s14+$0x0] =	vst.idx.msk $0xffff, v34  }
0xc8: {  	v34 =	vld [tilespmem:s22+$0xFFFFFF60];
	_ =	sdelay $0x1  }
0xc9: {  	v35 =	vadd.s32 v7, v33;
	_ =	sdelay $0x2  }
0xca: {  	v34 =	vmul.f32 $8.000000000e+00, v34;
	_ =	sdelay $0x1  }
0xcb: {  	[tilespmem:v35+s14+$0x0] =	vst.idx.msk $0xffff, v34  }
0xcc: {  	v34 =	vld [tilespmem:s22+$0xFFFFFF70];
	_ =	sdelay $0x1  }
0xcd: {  	v33 =	vadd.s32 v8, v33;
	_ =	sdelay $0x1  }
0xce: {  	s26 =	sadd.s32 $0x2, s23  }
0xcf: {  	v35 =	vmov s26;
	v34 =	vmul.f32 $8.000000000e+00, v34  }
0xd0: {  	v35 =	vshrl.u32 v35, $0x3  }
0xd1: {  	[tilespmem:v33+s14+$0x0] =	vst.idx.msk $0xffff, v34;
	v33 =	vshll.u32 v35, v1  }
0xd2: {  	v34 =	vld [tilespmem:s22+$0xFFFFFF80];
	v33 =	vbroadcast v33, $0x0;
	_ =	sdelay $0x1  }
0xd3: {  	v35 =	vadd.s32 v9, v33;
	_ =	sdelay $0x2  }
0xd4: {  	v34 =	vmul.f32 $8.000000000e+00, v34;
	_ =	sdelay $0x1  }
0xd5: {  	[tilespmem:v35+s14+$0x0] =	vst.idx.msk $0xffff, v34  }
0xd6: {  	v34 =	vld [tilespmem:s22+$0xFFFFFF90];
	_ =	sdelay $0x1  }
0xd7: {  	v35 =	vadd.s32 v10, v33;
	_ =	sdelay $0x2  }
0xd8: {  	v34 =	vmul.f32 $8.000000000e+00, v34;
	_ =	sdelay $0x1  }
0xd9: {  	[tilespmem:v35+s14+$0x0] =	vst.idx.msk $0xffff, v34  }
0xda: {  	v34 =	vld [tilespmem:s22+$0xFFFFFFA0];
	_ =	sdelay $0x1  }
0xdb: {  	v35 =	vadd.s32 v11, v33;
	_ =	sdelay $0x2  }
0xdc: {  	v34 =	vmul.f32 $8.000000000e+00, v34;
	_ =	sdelay $0x1  }
0xdd: {  	[tilespmem:v35+s14+$0x0] =	vst.idx.msk $0xffff, v34  }
0xde: {  	v34 =	vld [tilespmem:s22+$0xFFFFFFB0];
	_ =	sdelay $0x1  }
0xdf: {  	v33 =	vadd.s32 v12, v33;
	_ =	sdelay $0x1  }
0xe0: {  	s26 =	sadd.s32 $0x3, s23  }
0xe1: {  	v35 =	vmov s26;
	v34 =	vmul.f32 $8.000000000e+00, v34  }
0xe2: {  	v35 =	vshrl.u32 v35, $0x3  }
0xe3: {  	[tilespmem:v33+s14+$0x0] =	vst.idx.msk $0xffff, v34;
	v33 =	vshll.u32 v35, v1  }
0xe4: {  	v34 =	vld [tilespmem:s22+$0xFFFFFFC0];
	v33 =	vbroadcast v33, $0x0;
	_ =	sdelay $0x1  }
0xe5: {  	v35 =	vadd.s32 v13, v33;
	_ =	sdelay $0x2  }
0xe6: {  	v34 =	vmul.f32 $8.000000000e+00, v34;
	_ =	sdelay $0x1  }
0xe7: {  	[tilespmem:v35+s14+$0x0] =	vst.idx.msk $0xffff, v34  }
0xe8: {  	v34 =	vld [tilespmem:s22+$0xFFFFFFD0];
	_ =	sdelay $0x1  }
0xe9: {  	v35 =	vadd.s32 v14, v33;
	_ =	sdelay $0x2  }
0xea: {  	v34 =	vmul.f32 $8.000000000e+00, v34;
	_ =	sdelay $0x1  }
0xeb: {  	[tilespmem:v35+s14+$0x0] =	vst.idx.msk $0xffff, v34  }
0xec: {  	v34 =	vld [tilespmem:s22+$0xFFFFFFE0];
	_ =	sdelay $0x1  }
0xed: {  	v35 =	vadd.s32 v15, v33;
	_ =	sdelay $0x2  }
0xee: {  	v34 =	vmul.f32 $8.000000000e+00, v34;
	_ =	sdelay $0x1  }
0xef: {  	[tilespmem:v35+s14+$0x0] =	vst.idx.msk $0xffff, v34  }
0xf0: {  	v34 =	vld [tilespmem:s22+$0xFFFFFFF0];
	_ =	sdelay $0x1  }
0xf1: {  	v33 =	vadd.s32 v16, v33;
	_ =	sdelay $0x1  }
0xf2: {  	s26 =	sadd.s32 $0x4, s23  }
0xf3: {  	v35 =	vmov s26;
	v34 =	vmul.f32 $8.000000000e+00, v34  }
0xf4: {  	v35 =	vshrl.u32 v35, $0x3  }
0xf5: {  	[tilespmem:v33+s14+$0x0] =	vst.idx.msk $0xffff, v34;
	v33 =	vshll.u32 v35, v1  }
0xf6: {  	v34 =	vld [tilespmem:s22+$0x0];
	v33 =	vbroadcast v33, $0x0;
	_ =	sdelay $0x1  }
0xf7: {  	v35 =	vadd.s32 v17, v33;
	_ =	sdelay $0x2  }
0xf8: {  	v34 =	vmul.f32 $8.000000000e+00, v34;
	_ =	sdelay $0x1  }
0xf9: {  	[tilespmem:v35+s14+$0x0] =	vst.idx.msk $0xffff, v34  }
0xfa: {  	v34 =	vld [tilespmem:s22+$0x10];
	_ =	sdelay $0x1  }
0xfb: {  	v35 =	vadd.s32 v18, v33;
	_ =	sdelay $0x2  }
0xfc: {  	v34 =	vmul.f32 $8.000000000e+00, v34;
	_ =	sdelay $0x1  }
0xfd: {  	[tilespmem:v35+s14+$0x0] =	vst.idx.msk $0xffff, v34  }
0xfe: {  	v34 =	vld [tilespmem:s22+$0x20];
	_ =	sdelay $0x1  }
0xff: {  	v35 =	vadd.s32 v19, v33;
	_ =	sdelay $0x2  }
0x100: {  	v34 =	vmul.f32 $8.000000000e+00, v34;
	_ =	sdelay $0x1  }
0x101: {  	[tilespmem:v35+s14+$0x0] =	vst.idx.msk $0xffff, v34  }
0x102: {  	v34 =	vld [tilespmem:s22+$0x30];
	_ =	sdelay $0x1  }
0x103: {  	v33 =	vadd.s32 v20, v33;
	_ =	sdelay $0x1  }
0x104: {  	s26 =	sadd.s32 $0x5, s23  }
0x105: {  	v35 =	vmov s26;
	v34 =	vmul.f32 $8.000000000e+00, v34  }
0x106: {  	v35 =	vshrl.u32 v35, $0x3  }
0x107: {  	[tilespmem:v33+s14+$0x0] =	vst.idx.msk $0xffff, v34;
	v33 =	vshll.u32 v35, v1  }
0x108: {  	v34 =	vld [tilespmem:s22+$0x40];
	v33 =	vbroadcast v33, $0x0;
	_ =	sdelay $0x1  }
0x109: {  	v35 =	vadd.s32 v21, v33;
	_ =	sdelay $0x2  }
0x10a: {  	v34 =	vmul.f32 $8.000000000e+00, v34;
	_ =	sdelay $0x1  }
0x10b: {  	[tilespmem:v35+s14+$0x0] =	vst.idx.msk $0xffff, v34  }
0x10c: {  	v34 =	vld [tilespmem:s22+$0x50];
	_ =	sdelay $0x1  }
0x10d: {  	v35 =	vadd.s32 v22, v33;
	_ =	sdelay $0x2  }
0x10e: {  	v34 =	vmul.f32 $8.000000000e+00, v34;
	_ =	sdelay $0x1  }
0x10f: {  	[tilespmem:v35+s14+$0x0] =	vst.idx.msk $0xffff, v34  }
0x110: {  	v34 =	vld [tilespmem:s22+$0x60];
	_ =	sdelay $0x1  }
0x111: {  	v35 =	vadd.s32 v23, v33;
	_ =	sdelay $0x2  }
0x112: {  	v34 =	vmul.f32 $8.000000000e+00, v34;
	_ =	sdelay $0x1  }
0x113: {  	[tilespmem:v35+s14+$0x0] =	vst.idx.msk $0xffff, v34  }
0x114: {  	v34 =	vld [tilespmem:s22+$0x70];
	_ =	sdelay $0x1  }
0x115: {  	v33 =	vadd.s32 v24, v33;
	_ =	sdelay $0x1  }
0x116: {  	s26 =	sadd.s32 $0x6, s23  }
0x117: {  	v35 =	vmov s26;
	v34 =	vmul.f32 $8.000000000e+00, v34  }
0x118: {  	v35 =	vshrl.u32 v35, $0x3  }
0x119: {  	[tilespmem:v33+s14+$0x0] =	vst.idx.msk $0xffff, v34;
	v33 =	vshll.u32 v35, v1  }
0x11a: {  	v34 =	vld [tilespmem:s22+$0x80];
	v33 =	vbroadcast v33, $0x0;
	_ =	sdelay $0x1  }
0x11b: {  	v35 =	vadd.s32 v25, v33;
	_ =	sdelay $0x2  }
0x11c: {  	v34 =	vmul.f32 $8.000000000e+00, v34;
	_ =	sdelay $0x1  }
0x11d: {  	[tilespmem:v35+s14+$0x0] =	vst.idx.msk $0xffff, v34  }
0x11e: {  	v34 =	vld [tilespmem:s22+$0x90];
	_ =	sdelay $0x1  }
0x11f: {  	v35 =	vadd.s32 v26, v33;
	_ =	sdelay $0x2  }
0x120: {  	v34 =	vmul.f32 $8.000000000e+00, v34;
	_ =	sdelay $0x1  }
0x121: {  	[tilespmem:v35+s14+$0x0] =	vst.idx.msk $0xffff, v34  }
0x122: {  	v34 =	vld [tilespmem:s22+$0xA0];
	_ =	sdelay $0x1  }
0x123: {  	v35 =	vadd.s32 v27, v33;
	_ =	sdelay $0x2  }
0x124: {  	v34 =	vmul.f32 $8.000000000e+00, v34;
	_ =	sdelay $0x1  }
0x125: {  	[tilespmem:v35+s14+$0x0] =	vst.idx.msk $0xffff, v34  }
0x126: {  	v34 =	vld [tilespmem:s22+$0xB0];
	_ =	sdelay $0x1  }
0x127: {  	v33 =	vadd.s32 v28, v33;
	_ =	sdelay $0x1  }
0x128: {  	s26 =	sadd.s32 $0x7, s23;
	s23 =	smov.u32 s25  }
0x129: {  	v35 =	vmov s26;
	v34 =	vmul.f32 $8.000000000e+00, v34  }
0x12a: {  	v35 =	vshrl.u32 v35, $0x3  }
0x12b: {  	[tilespmem:v33+s14+$0x0] =	vst.idx.msk $0xffff, v34;
	v33 =	vshll.u32 v35, v1  }
0x12c: {  	v34 =	vld [tilespmem:s22+$0xC0];
	v33 =	vbroadcast v33, $0x0;
	_ =	sdelay $0x1  }
0x12d: {  	v35 =	vadd.s32 v29, v33;
	_ =	sdelay $0x2  }
0x12e: {  	v34 =	vmul.f32 $8.000000000e+00, v34;
	_ =	sdelay $0x1  }
0x12f: {  	[tilespmem:v35+s14+$0x0] =	vst.idx.msk $0xffff, v34  }
0x130: {  	v34 =	vld [tilespmem:s22+$0xD0];
	_ =	sdelay $0x1  }
0x131: {  	v35 =	vadd.s32 v30, v33;
	_ =	sdelay $0x2  }
0x132: {  	v34 =	vmul.f32 $8.000000000e+00, v34;
	_ =	sdelay $0x1  }
0x133: {  	[tilespmem:v35+s14+$0x0] =	vst.idx.msk $0xffff, v34  }
0x134: {  	v34 =	vld [tilespmem:s22+$0xE0];
	_ =	sdelay $0x1  }
0x135: {  	v35 =	vadd.s32 v31, v33;
	_ =	sdelay $0x2  }
0x136: {  	v34 =	vmul.f32 $8.000000000e+00, v34;
	_ =	sdelay $0x1  }
0x137: {  	[tilespmem:v35+s14+$0x0] =	vst.idx.msk $0xffff, v34  }
0x138: {  	v34 =	vld [tilespmem:s22+$0xF0];
	_ =	sdelay $0x1  }
.Ltmp0:
0x139: {  	v33 =	vadd.s32 v32, v33;
	(pc) =	sbr.rel @p0 .LBB2_3-.Ltmp0, $3  }
0x13a: {  	_ =	sdelay $0x1  }
0x13b: {  	v35 =	vmov s23;
	v34 =	vmul.f32 $8.000000000e+00, v34  }
0x13c: {  	v35 =	vshrl.u32 v35, $0x3  }
0x13d: {  	_ =	sdelay $0x3  }
0x13e: {  	v35 =	vshll.u32 v35, v1;
	[tilespmem:v33+s14+$0x0] =	vst.idx.msk $0xffff, v34;
	s22 =	sadd.s32 $0x200, s22  }
0x13f: {  	v33 =	vld [tilespmem:s22+$0xFFFFFF00];
	v54 =	vbroadcast v35, $0x0;
	_ =	sdelay $0x1  }
0x140: {  	v35 =	vadd.s32 v0, v54;
	_ =	sdelay $0x2  }
0x141: {  	v33 =	vmul.f32 $8.000000000e+00, v33;
	_ =	sdelay $0x1  }
0x142: {  	[tilespmem:v35+s14+$0x0] =	vst.idx.msk $0xffff, v33  }
0x143: {  	v33 =	vld [tilespmem:s22+$0xFFFFFF10];
	_ =	sdelay $0x1  }
0x144: {  	v55 =	vadd.s32 v2, v54;
	_ =	sdelay $0x2  }
0x145: {  	v33 =	vmul.f32 $8.000000000e+00, v33;
	_ =	sdelay $0x1  }
0x146: {  	[tilespmem:v55+s14+$0x0] =	vst.idx.msk $0xffff, v33  }
0x147: {  	v33 =	vld [tilespmem:s22+$0xFFFFFF20];
	_ =	sdelay $0x1  }
0x148: {  	v56 =	vadd.s32 v3, v54;
	_ =	sdelay $0x2  }
0x149: {  	v33 =	vmul.f32 $8.000000000e+00, v33;
	_ =	sdelay $0x1  }
0x14a: {  	[tilespmem:v56+s14+$0x0] =	vst.idx.msk $0xffff, v33  }
0x14b: {  	v33 =	vld [tilespmem:s22+$0xFFFFFF30];
	_ =	sdelay $0x1  }
0x14c: {  	v34 =	vadd.s32 v4, v54;
	_ =	sdelay $0x1  }
0x14d: {  	s24 =	sadd.s32 $0x1, s23  }
0x14e: {  	v57 =	vmov s24;
	v33 =	vmul.f32 $8.000000000e+00, v33  }
0x14f: {  	v35 =	vshrl.u32 v57, $0x3  }
0x150: {  	v58 =	vshll.u32 v35, v1;
	[tilespmem:v34+s14+$0x0] =	vst.idx.msk $0xffff, v33  }
0x151: {  	v33 =	vbroadcast v58, $0x0;
	v34 =	vld [tilespmem:s22+$0xFFFFFF40];
	_ =	sdelay $0x1  }
0x152: {  	v59 =	vadd.s32 v5, v33;
	_ =	sdelay $0x2  }
0x153: {  	v34 =	vmul.f32 $8.000000000e+00, v34;
	_ =	sdelay $0x1  }
0x154: {  	[tilespmem:v59+s14+$0x0] =	vst.idx.msk $0xffff, v34  }
0x155: {  	v34 =	vld [tilespmem:s22+$0xFFFFFF50];
	_ =	sdelay $0x1  }
0x156: {  	v60 =	vadd.s32 v6, v33;
	_ =	sdelay $0x2  }
0x157: {  	v34 =	vmul.f32 $8.000000000e+00, v34;
	_ =	sdelay $0x1  }
0x158: {  	[tilespmem:v60+s14+$0x0] =	vst.idx.msk $0xffff, v34  }
0x159: {  	v34 =	vld [tilespmem:s22+$0xFFFFFF60];
	_ =	sdelay $0x1  }
0x15a: {  	v61 =	vadd.s32 v7, v33;
	_ =	sdelay $0x2  }
0x15b: {  	v34 =	vmul.f32 $8.000000000e+00, v34;
	_ =	sdelay $0x1  }
0x15c: {  	[tilespmem:v61+s14+$0x0] =	vst.idx.msk $0xffff, v34  }
0x15d: {  	v34 =	vld [tilespmem:s22+$0xFFFFFF70];
	_ =	sdelay $0x1  }
0x15e: {  	v33 =	vadd.s32 v8, v33;
	_ =	sdelay $0x1  }
0x15f: {  	s25 =	sadd.s32 $0x2, s23  }
0x160: {  	v62 =	vmov s25;
	v34 =	vmul.f32 $8.000000000e+00, v34  }
0x161: {  	v35 =	vshrl.u32 v62, $0x3  }
0x162: {  	v63 =	vshll.u32 v35, v1;
	[tilespmem:v33+s14+$0x0] =	vst.idx.msk $0xffff, v34  }
0x163: {  	v33 =	vbroadcast v63, $0x0;
	v34 =	vld [tilespmem:s22+$0xFFFFFF80];
	_ =	sdelay $0x1  }
0x164: {  	v36 =	vadd.s32 v9, v33;
	_ =	sdelay $0x2  }
0x165: {  	v34 =	vmul.f32 $8.000000000e+00, v34;
	_ =	sdelay $0x1  }
0x166: {  	[tilespmem:v36+s14+$0x0] =	vst.idx.msk $0xffff, v34  }
0x167: {  	v34 =	vld [tilespmem:s22+$0xFFFFFF90];
	_ =	sdelay $0x1  }
0x168: {  	v37 =	vadd.s32 v10, v33;
	_ =	sdelay $0x2  }
0x169: {  	v34 =	vmul.f32 $8.000000000e+00, v34;
	_ =	sdelay $0x1  }
0x16a: {  	[tilespmem:v37+s14+$0x0] =	vst.idx.msk $0xffff, v34  }
0x16b: {  	v34 =	vld [tilespmem:s22+$0xFFFFFFA0];
	_ =	sdelay $0x1  }
0x16c: {  	v38 =	vadd.s32 v11, v33;
	_ =	sdelay $0x2  }
0x16d: {  	v34 =	vmul.f32 $8.000000000e+00, v34;
	_ =	sdelay $0x1  }
0x16e: {  	[tilespmem:v38+s14+$0x0] =	vst.idx.msk $0xffff, v34  }
0x16f: {  	v34 =	vld [tilespmem:s22+$0xFFFFFFB0];
	_ =	sdelay $0x1  }
0x170: {  	v33 =	vadd.s32 v12, v33;
	_ =	sdelay $0x1  }
0x171: {  	s26 =	sadd.s32 $0x3, s23  }
0x172: {  	v39 =	vmov s26;
	v34 =	vmul.f32 $8.000000000e+00, v34  }
0x173: {  	v35 =	vshrl.u32 v39, $0x3  }
0x174: {  	v40 =	vshll.u32 v35, v1;
	[tilespmem:v33+s14+$0x0] =	vst.idx.msk $0xffff, v34  }
0x175: {  	v33 =	vbroadcast v40, $0x0;
	v34 =	vld [tilespmem:s22+$0xFFFFFFC0];
	_ =	sdelay $0x1  }
0x176: {  	v41 =	vadd.s32 v13, v33;
	_ =	sdelay $0x2  }
0x177: {  	v34 =	vmul.f32 $8.000000000e+00, v34;
	_ =	sdelay $0x1  }
0x178: {  	[tilespmem:v41+s14+$0x0] =	vst.idx.msk $0xffff, v34  }
0x179: {  	v34 =	vld [tilespmem:s22+$0xFFFFFFD0];
	_ =	sdelay $0x1  }
0x17a: {  	v42 =	vadd.s32 v14, v33;
	_ =	sdelay $0x2  }
0x17b: {  	v34 =	vmul.f32 $8.000000000e+00, v34;
	_ =	sdelay $0x1  }
0x17c: {  	[tilespmem:v42+s14+$0x0] =	vst.idx.msk $0xffff, v34  }
0x17d: {  	v34 =	vld [tilespmem:s22+$0xFFFFFFE0];
	_ =	sdelay $0x1  }
0x17e: {  	v43 =	vadd.s32 v15, v33;
	_ =	sdelay $0x2  }
0x17f: {  	v34 =	vmul.f32 $8.000000000e+00, v34;
	_ =	sdelay $0x1  }
0x180: {  	[tilespmem:v43+s14+$0x0] =	vst.idx.msk $0xffff, v34  }
0x181: {  	v34 =	vld [tilespmem:s22+$0xFFFFFFF0];
	_ =	sdelay $0x1  }
0x182: {  	v33 =	vadd.s32 v16, v33;
	_ =	sdelay $0x1  }
0x183: {  	s28 =	sadd.s32 $0x4, s23  }
0x184: {  	v44 =	vmov s28;
	v34 =	vmul.f32 $8.000000000e+00, v34  }
0x185: {  	v35 =	vshrl.u32 v44, $0x3  }
0x186: {  	v45 =	vshll.u32 v35, v1;
	[tilespmem:v33+s14+$0x0] =	vst.idx.msk $0xffff, v34  }
0x187: {  	v33 =	vbroadcast v45, $0x0;
	v34 =	vld [tilespmem:s22+$0x0];
	_ =	sdelay $0x1  }
0x188: {  	v46 =	vadd.s32 v17, v33;
	_ =	sdelay $0x2  }
0x189: {  	v34 =	vmul.f32 $8.000000000e+00, v34;
	_ =	sdelay $0x1  }
0x18a: {  	[tilespmem:v46+s14+$0x0] =	vst.idx.msk $0xffff, v34  }
0x18b: {  	v34 =	vld [tilespmem:s22+$0x10];
	_ =	sdelay $0x1  }
0x18c: {  	v47 =	vadd.s32 v18, v33;
	_ =	sdelay $0x2  }
0x18d: {  	v34 =	vmul.f32 $8.000000000e+00, v34;
	_ =	sdelay $0x1  }
0x18e: {  	[tilespmem:v47+s14+$0x0] =	vst.idx.msk $0xffff, v34  }
0x18f: {  	v34 =	vld [tilespmem:s22+$0x20];
	_ =	sdelay $0x1  }
0x190: {  	v48 =	vadd.s32 v19, v33;
	_ =	sdelay $0x2  }
0x191: {  	v34 =	vmul.f32 $8.000000000e+00, v34;
	_ =	sdelay $0x1  }
0x192: {  	[tilespmem:v48+s14+$0x0] =	vst.idx.msk $0xffff, v34  }
0x193: {  	v34 =	vld [tilespmem:s22+$0x30];
	_ =	sdelay $0x1  }
0x194: {  	v33 =	vadd.s32 v20, v33;
	_ =	sdelay $0x1  }
0x195: {  	s29 =	sadd.s32 $0x5, s23  }
0x196: {  	v49 =	vmov s29;
	v34 =	vmul.f32 $8.000000000e+00, v34  }
0x197: {  	v35 =	vshrl.u32 v49, $0x3  }
0x198: {  	v50 =	vshll.u32 v35, v1;
	[tilespmem:v33+s14+$0x0] =	vst.idx.msk $0xffff, v34  }
0x199: {  	v33 =	vbroadcast v50, $0x0;
	v34 =	vld [tilespmem:s22+$0x40];
	_ =	sdelay $0x1  }
0x19a: {  	v51 =	vadd.s32 v21, v33;
	_ =	sdelay $0x2  }
0x19b: {  	v34 =	vmul.f32 $8.000000000e+00, v34;
	_ =	sdelay $0x1  }
0x19c: {  	[tilespmem:v51+s14+$0x0] =	vst.idx.msk $0xffff, v34  }
0x19d: {  	v34 =	vld [tilespmem:s22+$0x50];
	_ =	sdelay $0x1  }
0x19e: {  	v52 =	vadd.s32 v22, v33;
	_ =	sdelay $0x2  }
0x19f: {  	v34 =	vmul.f32 $8.000000000e+00, v34;
	_ =	sdelay $0x1  }
0x1a0: {  	[tilespmem:v52+s14+$0x0] =	vst.idx.msk $0xffff, v34  }
0x1a1: {  	v34 =	vld [tilespmem:s22+$0x60];
	_ =	sdelay $0x1  }
0x1a2: {  	v53 =	vadd.s32 v23, v33;
	_ =	sdelay $0x2  }
0x1a3: {  	v34 =	vmul.f32 $8.000000000e+00, v34;
	_ =	sdelay $0x1  }
0x1a4: {  	[tilespmem:v53+s14+$0x0] =	vst.idx.msk $0xffff, v34  }
0x1a5: {  	v34 =	vld [tilespmem:s22+$0x70];
	_ =	sdelay $0x1  }
0x1a6: {  	v33 =	vadd.s32 v24, v33;
	_ =	sdelay $0x1  }
0x1a7: {  	s30 =	sadd.s32 $0x6, s23  }
0x1a8: {  	v54 =	vmov s30;
	v34 =	vmul.f32 $8.000000000e+00, v34  }
0x1a9: {  	v35 =	vshrl.u32 v54, $0x3  }
0x1aa: {  	v55 =	vshll.u32 v35, v1;
	[tilespmem:v33+s14+$0x0] =	vst.idx.msk $0xffff, v34  }
0x1ab: {  	v33 =	vbroadcast v55, $0x0;
	v34 =	vld [tilespmem:s22+$0x80];
	_ =	sdelay $0x1  }
0x1ac: {  	v56 =	vadd.s32 v25, v33;
	_ =	sdelay $0x2  }
0x1ad: {  	v34 =	vmul.f32 $8.000000000e+00, v34;
	_ =	sdelay $0x1  }
0x1ae: {  	[tilespmem:v56+s14+$0x0] =	vst.idx.msk $0xffff, v34  }
0x1af: {  	v34 =	vld [tilespmem:s22+$0x90];
	_ =	sdelay $0x1  }
0x1b0: {  	v57 =	vadd.s32 v26, v33;
	_ =	sdelay $0x2  }
0x1b1: {  	v34 =	vmul.f32 $8.000000000e+00, v34;
	_ =	sdelay $0x1  }
0x1b2: {  	[tilespmem:v57+s14+$0x0] =	vst.idx.msk $0xffff, v34  }
0x1b3: {  	v34 =	vld [tilespmem:s22+$0xA0];
	_ =	sdelay $0x1  }
0x1b4: {  	v58 =	vadd.s32 v27, v33;
	_ =	sdelay $0x2  }
0x1b5: {  	v34 =	vmul.f32 $8.000000000e+00, v34;
	_ =	sdelay $0x1  }
0x1b6: {  	[tilespmem:v58+s14+$0x0] =	vst.idx.msk $0xffff, v34  }
0x1b7: {  	v34 =	vld [tilespmem:s22+$0xB0];
	_ =	sdelay $0x1  }
0x1b8: {  	v33 =	vadd.s32 v28, v33;
	_ =	sdelay $0x1  }
0x1b9: {  	s31 =	sadd.s32 $0x7, s23  }
0x1ba: {  	v59 =	vmov s31;
	v34 =	vmul.f32 $8.000000000e+00, v34  }
0x1bb: {  	v35 =	vshrl.u32 v59, $0x3  }
0x1bc: {  	v60 =	vshll.u32 v35, v1;
	[tilespmem:v33+s14+$0x0] =	vst.idx.msk $0xffff, v34  }
0x1bd: {  	v33 =	vbroadcast v60, $0x0;
	v34 =	vld [tilespmem:s22+$0xC0];
	_ =	sdelay $0x1  }
0x1be: {  	v61 =	vadd.s32 v29, v33;
	_ =	sdelay $0x2  }
0x1bf: {  	v34 =	vmul.f32 $8.000000000e+00, v34;
	_ =	sdelay $0x1  }
0x1c0: {  	[tilespmem:v61+s14+$0x0] =	vst.idx.msk $0xffff, v34  }
0x1c1: {  	v34 =	vld [tilespmem:s22+$0xD0];
	_ =	sdelay $0x1  }
0x1c2: {  	v62 =	vadd.s32 v30, v33;
	_ =	sdelay $0x2  }
0x1c3: {  	v34 =	vmul.f32 $8.000000000e+00, v34;
	_ =	sdelay $0x1  }
0x1c4: {  	[tilespmem:v62+s14+$0x0] =	vst.idx.msk $0xffff, v34  }
0x1c5: {  	v34 =	vld [tilespmem:s22+$0xE0];
	_ =	sdelay $0x1  }
0x1c6: {  	v63 =	vadd.s32 v31, v33;
	_ =	sdelay $0x2  }
0x1c7: {  	v34 =	vmul.f32 $8.000000000e+00, v34;
	_ =	sdelay $0x1  }
0x1c8: {  	[tilespmem:v63+s14+$0x0] =	vst.idx.msk $0xffff, v34  }
0x1c9: {  	v34 =	vld [tilespmem:s22+$0xF0];
	_ =	sdelay $0x1  }
0x1ca: {  	v33 =	vadd.s32 v32, v33;
	_ =	sdelay $0x1  }
0x1cb: {  	s23 =	sshll.u32 s20, $0x13  }
0x1cc: {  	s22 =	sor.u32 s6, s23;
	v34 =	vmul.f32 $8.000000000e+00, v34  }
0x1cd: {  	s22 =	sshrl.u32 s22, $0x3  }
0x1ce: {  	s24 =	simm.s32 $0xA400;
	s23 =	sadd.s32 s1, s22;
	[tilespmem:v33+s14+$0x0] =	vst.idx.msk $0xffff, v34  }
0x1cf: {  	[hbm4b:s23+s3] =	stream.linear.scatter [tilespmem:s24], [sflag:$0x3], $0x80, $0x38;
	[tilespmem:$0xE800] =	vst v63  }
0x1d0: {  	s25 =	simm.s32 $0xA488;
	s26 =	sadd.s32 $0x10, s23  }
0x1d1: {  	[hbm4b:s26+s3] =	stream.linear.scatter [tilespmem:s25], [sflag:$0x3], $0x80, $0x38;
	[tilespmem:$0xE800] =	vst v63  }
0x1d2: {  	s28 =	simm.s32 $0xA510;
	s30 =	simm.s32 $0xA598;
	s29 =	sadd.s32 $0x20, s23  }
0x1d3: {  	[hbm4b:s29+s3] =	stream.linear.scatter [tilespmem:s28], [sflag:$0x3], $0x80, $0x38;
	[tilespmem:$0xE800] =	vst v63  }
0x1d4: {  	s22 =	simm.s32 $0x440;
	s31 =	sadd.s32 $0x30, s23;
	s24 =	simm.s32 $0x2200  }
0x1d5: {  	[hbm4b:s31+s3] =	stream.linear.scatter [tilespmem:s30], [sflag:$0x3], $0x80, $0x38;
	[tilespmem:$0xE800] =	vst v63  }
0x1d6: {  	s25 =	simm.s32 $0xA620;
	s26 =	sadd.s32 $0x40, s23;
	s28 =	simm.s32 $0xA6A8  }
0x1d7: {  	[hbm4b:s26+s3] =	stream.linear.scatter [tilespmem:s25], [sflag:$0x3], $0x80, $0x38;
	[tilespmem:$0xE800] =	vst v63  }
0x1d8: {  	s29 =	sadd.s32 $0x50, s23;
	s30 =	simm.s32 $0xA730;
	s31 =	sadd.s32 $0x60, s23  }
0x1d9: {  	[hbm4b:s29+s3] =	stream.linear.scatter [tilespmem:s28], [sflag:$0x3], $0x80, $0x38;
	[tilespmem:$0xE800] =	vst v63  }
0x1da: {  	s25 =	simm.s32 $0xA7B8;
	s26 =	sadd.s32 $0x70, s23;
	s23 =	sadd.s32 $0x1000, s23  }
0x1db: {  	[hbm4b:s31+s3] =	stream.linear.scatter [tilespmem:s30], [sflag:$0x3], $0x80, $0x38;
	[tilespmem:$0xE800] =	vst v63  }
.LBB2_5:
0x1dc: {  	[hbm4b:s26+s3] =	stream.linear.scatter [tilespmem:s25], [sflag:$0x3], $0x80, $0x38;
	[tilespmem:$0xE800] =	vst v63  }
0x1dd: {  	s25 =	smov.u32 s22;
	s22 =	smov.u32 s24  }
0x1de: {  	s28 =	sadd.s32 $0x1100, s24;
	s22 =	sshra.s32 s22, $0x2;
	s26 =	sadd.s32 $0xA400, s25  }
0x1df: {  	[hbm4b:s23+s3] =	stream.linear.scatter [tilespmem:s26], [sflag:$0x3], $0x80, $0x38;
	[tilespmem:$0xE800] =	vst v63  }
0x1e0: {  	p0 =	sne.s32 s24, $0x7700;
	s24 =	sadd.s32 $0xA488, s25;
	s26 =	sadd.s32 $0x10, s23  }
0x1e1: {  	[hbm4b:s26+s3] =	stream.linear.scatter [tilespmem:s24], [sflag:$0x3], $0x80, $0x38;
	[tilespmem:$0xE800] =	vst v63  }
0x1e2: {  	s24 =	sadd.s32 $0xA510, s25;
	s26 =	sadd.s32 $0x20, s23  }
0x1e3: {  	[hbm4b:s26+s3] =	stream.linear.scatter [tilespmem:s24], [sflag:$0x3], $0x80, $0x38;
	[tilespmem:$0xE800] =	vst v63  }
0x1e4: {  	s24 =	sadd.s32 $0xA598, s25;
	s26 =	sadd.s32 $0x30, s23  }
0x1e5: {  	[hbm4b:s26+s3] =	stream.linear.scatter [tilespmem:s24], [sflag:$0x3], $0x80, $0x38;
	[tilespmem:$0xE800] =	vst v63  }
0x1e6: {  	s24 =	sadd.s32 $0xA620, s25;
	s26 =	sadd.s32 $0x40, s23  }
0x1e7: {  	[hbm4b:s26+s3] =	stream.linear.scatter [tilespmem:s24], [sflag:$0x3], $0x80, $0x38;
	[tilespmem:$0xE800] =	vst v63  }
.Ltmp1:
0x1e8: {  	s24 =	sadd.s32 $0xA6A8, s25;
	s26 =	sadd.s32 $0x50, s23;
	(pc) =	sbr.rel @p0 .LBB2_5-.Ltmp1, $4  }
0x1e9: {  	[hbm4b:s26+s3] =	stream.linear.scatter [tilespmem:s24], [sflag:$0x3], $0x80, $0x38;
	[tilespmem:$0xE800] =	vst v63  }
0x1ea: {  	s24 =	sadd.s32 $0xA730, s25;
	s26 =	sadd.s32 $0x60, s23;
	s25 =	sadd.s32 $0xA7B8, s25  }
0x1eb: {  	[hbm4b:s26+s3] =	stream.linear.scatter [tilespmem:s24], [sflag:$0x3], $0x80, $0x38;
	[tilespmem:$0xE800] =	vst v63  }
0x1ec: {  	s26 =	sadd.s32 $0x70, s23;
	s23 =	sadd.s32 $0x1000, s23;
	s24 =	smov.u32 s28  }
0x1ed: {  	[hbm4b:s26+s3] =	stream.linear.scatter [tilespmem:s25], [sflag:$0x3], $0x80, $0x38;
	[tilespmem:$0xE800] =	vst v63  }
0x1ee: {  	s24 =	sadd.s32 $0xA400, s22  }
0x1ef: {  	[hbm4b:s23+s3] =	stream.linear.scatter [tilespmem:s24], [sflag:$0x3], $0x80, $0x38;
	[tilespmem:$0xE800] =	vst v63  }
0x1f0: {  	s30 =	sadd.s32 $0xA488, s22;
	s31 =	sadd.s32 $0x10, s23  }
0x1f1: {  	[hbm4b:s31+s3] =	stream.linear.scatter [tilespmem:s30], [sflag:$0x3], $0x80, $0x38;
	[tilespmem:$0xE800] =	vst v63  }
0x1f2: {  	s25 =	sadd.s32 $0xA510, s22;
	s26 =	sadd.s32 $0x20, s23  }
0x1f3: {  	[hbm4b:s26+s3] =	stream.linear.scatter [tilespmem:s25], [sflag:$0x3], $0x80, $0x38;
	[tilespmem:$0xE800] =	vst v63  }
0x1f4: {  	s28 =	sadd.s32 $0xA598, s22;
	s29 =	sadd.s32 $0x30, s23  }
0x1f5: {  	[hbm4b:s29+s3] =	stream.linear.scatter [tilespmem:s28], [sflag:$0x3], $0x80, $0x38;
	[tilespmem:$0xE800] =	vst v63  }
0x1f6: {  	s30 =	sadd.s32 $0xA620, s22;
	s31 =	sadd.s32 $0x40, s23  }
0x1f7: {  	[hbm4b:s31+s3] =	stream.linear.scatter [tilespmem:s30], [sflag:$0x3], $0x80, $0x38;
	[tilespmem:$0xE800] =	vst v63  }
0x1f8: {  	s25 =	sadd.s32 $0xA6A8, s22;
	s26 =	sadd.s32 $0x50, s23  }
0x1f9: {  	[hbm4b:s26+s3] =	stream.linear.scatter [tilespmem:s25], [sflag:$0x3], $0x80, $0x38;
	[tilespmem:$0xE800] =	vst v63  }
0x1fa: {  	p0 =	seq.s32 s20, $0x63;
	s28 =	sadd.s32 $0xA730, s22;
	s29 =	sadd.s32 $0x60, s23  }
0x1fb: {  	[hbm4b:s29+s3] =	stream.linear.scatter [tilespmem:s28], [sflag:$0x3], $0x80, $0x38;
	[tilespmem:$0xE800] =	vst v63  }
0x1fc: {  	s30 =	sadd.s32 $0xA7B8, s22;
	s31 =	sadd.s32 $0x70, s23;
	s22 =	simm.s32 @!p0 $0x3  }
0x1fd: {  	[hbm4b:s31+s3] =	stream.linear.scatter [tilespmem:s30], [sflag:$0x3], $0x80, $0x38;
	[tilespmem:$0xE800] =	vst v63  }
0x1fe: {  	_ =	swait.ge @!p0 [sflag:s22], $0x2000  }
0x1ff: {  	s23 =	sshll.u32 @!p0 s20, $0x8;
	[sflag:s22] =	ssyncset.done @!p0 $0x0  }
0x200: {  	[sflag:s22] =	ssyncadd.s32 @!p0 $0xFFFFE000;
	s22 =	sand.u32 @!p0 $0x3FFFFF00, s23  }
0x201: {  	s24 =	simm.s32 @!p0 $0x6400;
	s23 =	simm.s32 @!p0 $0x80;
	s22 =	sadd.s32 @!p0 $0x100, s22  }
0x202: {  	[tilespmem:s24], [sflag:$0x1] =	stream.indirect.gather @!p0 [hbm4b:s4+s23], $0x40, s22, s23, $0xb8;
	[tilespmem:$0xE800] =	vst v63  }
0x203: {  	s23 =	simm.s32 $0x0  }
0x204: {  	_ =	swait.ge [sflag:s15], $0x2000;
	v33 =	vmov s23  }
0x205: {  	[sflag:s15] =	ssyncset.done $0x0;
	v33 =	vshrl.u32 v33, $0x3  }
0x206: {  	s22 =	simm.s32 $0x8500;
	[sflag:s15] =	ssyncadd.s32 $0xFFFFE000;
	v33 =	vshll.u32 v33, v1  }
0x207: {  	v34 =	vld [tilespmem:s22+$0xFFFFFF00];
	v33 =	vbroadcast v33, $0x0;
	_ =	sdelay $0x1  }
0x208: {  	v35 =	vadd.s32 v0, v33;
	_ =	sdelay $0x2  }
0x209: {  	v34 =	vmul.f32 $8.000000000e+00, v34;
	_ =	sdelay $0x1  }
0x20a: {  	[tilespmem:v35+s16+$0x0] =	vst.idx.msk $0xffff, v34  }
0x20b: {  	v34 =	vld [tilespmem:s22+$0xFFFFFF10];
	_ =	sdelay $0x1  }
0x20c: {  	v54 =	vadd.s32 v2, v33;
	_ =	sdelay $0x2  }
0x20d: {  	v34 =	vmul.f32 $8.000000000e+00, v34;
	_ =	sdelay $0x1  }
0x20e: {  	[tilespmem:v54+s16+$0x0] =	vst.idx.msk $0xffff, v34  }
0x20f: {  	v34 =	vld [tilespmem:s22+$0xFFFFFF20];
	_ =	sdelay $0x1  }
0x210: {  	v55 =	vadd.s32 v3, v33;
	_ =	sdelay $0x2  }
0x211: {  	v34 =	vmul.f32 $8.000000000e+00, v34;
	_ =	sdelay $0x1  }
0x212: {  	[tilespmem:v55+s16+$0x0] =	vst.idx.msk $0xffff, v34  }
0x213: {  	v34 =	vld [tilespmem:s22+$0xFFFFFF30];
	_ =	sdelay $0x1  }
0x214: {  	v33 =	vadd.s32 v4, v33;
	_ =	sdelay $0x1  }
0x215: {  	s24 =	simm.s32 $0x1  }
0x216: {  	v56 =	vmov s24;
	v34 =	vmul.f32 $8.000000000e+00, v34  }
0x217: {  	v35 =	vshrl.u32 v56, $0x3  }
0x218: {  	v57 =	vshll.u32 v35, v1;
	[tilespmem:v33+s16+$0x0] =	vst.idx.msk $0xffff, v34  }
0x219: {  	v33 =	vbroadcast v57, $0x0;
	v34 =	vld [tilespmem:s22+$0xFFFFFF40];
	_ =	sdelay $0x1  }
0x21a: {  	v58 =	vadd.s32 v5, v33;
	_ =	sdelay $0x2  }
0x21b: {  	v34 =	vmul.f32 $8.000000000e+00, v34;
	_ =	sdelay $0x1  }
0x21c: {  	[tilespmem:v58+s16+$0x0] =	vst.idx.msk $0xffff, v34  }
0x21d: {  	v34 =	vld [tilespmem:s22+$0xFFFFFF50];
	_ =	sdelay $0x1  }
0x21e: {  	v59 =	vadd.s32 v6, v33;
	_ =	sdelay $0x2  }
0x21f: {  	v34 =	vmul.f32 $8.000000000e+00, v34;
	_ =	sdelay $0x1  }
0x220: {  	[tilespmem:v59+s16+$0x0] =	vst.idx.msk $0xffff, v34  }
0x221: {  	v34 =	vld [tilespmem:s22+$0xFFFFFF60];
	_ =	sdelay $0x1  }
0x222: {  	v60 =	vadd.s32 v7, v33;
	_ =	sdelay $0x2  }
0x223: {  	v34 =	vmul.f32 $8.000000000e+00, v34;
	_ =	sdelay $0x1  }
0x224: {  	[tilespmem:v60+s16+$0x0] =	vst.idx.msk $0xffff, v34  }
0x225: {  	v34 =	vld [tilespmem:s22+$0xFFFFFF70];
	_ =	sdelay $0x1  }
0x226: {  	v33 =	vadd.s32 v8, v33;
	_ =	sdelay $0x1  }
0x227: {  	s25 =	simm.s32 $0x2  }
0x228: {  	v61 =	vmov s25;
	v34 =	vmul.f32 $8.000000000e+00, v34  }
0x229: {  	v35 =	vshrl.u32 v61, $0x3  }
0x22a: {  	v62 =	vshll.u32 v35, v1;
	[tilespmem:v33+s16+$0x0] =	vst.idx.msk $0xffff, v34  }
0x22b: {  	v33 =	vbroadcast v62, $0x0;
	v34 =	vld [tilespmem:s22+$0xFFFFFF80];
	_ =	sdelay $0x1  }
0x22c: {  	v63 =	vadd.s32 v9, v33;
	_ =	sdelay $0x2  }
0x22d: {  	v34 =	vmul.f32 $8.000000000e+00, v34;
	_ =	sdelay $0x1  }
0x22e: {  	[tilespmem:v63+s16+$0x0] =	vst.idx.msk $0xffff, v34  }
0x22f: {  	v34 =	vld [tilespmem:s22+$0xFFFFFF90];
	_ =	sdelay $0x1  }
0x230: {  	v36 =	vadd.s32 v10, v33;
	_ =	sdelay $0x2  }
0x231: {  	v34 =	vmul.f32 $8.000000000e+00, v34;
	_ =	sdelay $0x1  }
0x232: {  	[tilespmem:v36+s16+$0x0] =	vst.idx.msk $0xffff, v34  }
0x233: {  	v34 =	vld [tilespmem:s22+$0xFFFFFFA0];
	_ =	sdelay $0x1  }
0x234: {  	v37 =	vadd.s32 v11, v33;
	_ =	sdelay $0x2  }
0x235: {  	v34 =	vmul.f32 $8.000000000e+00, v34;
	_ =	sdelay $0x1  }
0x236: {  	[tilespmem:v37+s16+$0x0] =	vst.idx.msk $0xffff, v34  }
0x237: {  	v34 =	vld [tilespmem:s22+$0xFFFFFFB0];
	_ =	sdelay $0x1  }
0x238: {  	v33 =	vadd.s32 v12, v33;
	_ =	sdelay $0x1  }
0x239: {  	s26 =	simm.s32 $0x3  }
0x23a: {  	v38 =	vmov s26;
	v34 =	vmul.f32 $8.000000000e+00, v34  }
0x23b: {  	v35 =	vshrl.u32 v38, $0x3  }
0x23c: {  	v39 =	vshll.u32 v35, v1;
	[tilespmem:v33+s16+$0x0] =	vst.idx.msk $0xffff, v34  }
0x23d: {  	v33 =	vbroadcast v39, $0x0;
	v34 =	vld [tilespmem:s22+$0xFFFFFFC0];
	_ =	sdelay $0x1  }
0x23e: {  	v40 =	vadd.s32 v13, v33;
	_ =	sdelay $0x2  }
0x23f: {  	v34 =	vmul.f32 $8.000000000e+00, v34;
	_ =	sdelay $0x1  }
0x240: {  	[tilespmem:v40+s16+$0x0] =	vst.idx.msk $0xffff, v34  }
0x241: {  	v34 =	vld [tilespmem:s22+$0xFFFFFFD0];
	_ =	sdelay $0x1  }
0x242: {  	v41 =	vadd.s32 v14, v33;
	_ =	sdelay $0x2  }
0x243: {  	v34 =	vmul.f32 $8.000000000e+00, v34;
	_ =	sdelay $0x1  }
0x244: {  	[tilespmem:v41+s16+$0x0] =	vst.idx.msk $0xffff, v34  }
0x245: {  	v34 =	vld [tilespmem:s22+$0xFFFFFFE0];
	_ =	sdelay $0x1  }
0x246: {  	v42 =	vadd.s32 v15, v33;
	_ =	sdelay $0x2  }
0x247: {  	v34 =	vmul.f32 $8.000000000e+00, v34;
	_ =	sdelay $0x1  }
0x248: {  	[tilespmem:v42+s16+$0x0] =	vst.idx.msk $0xffff, v34  }
0x249: {  	v34 =	vld [tilespmem:s22+$0xFFFFFFF0];
	_ =	sdelay $0x1  }
0x24a: {  	v33 =	vadd.s32 v16, v33;
	_ =	sdelay $0x1  }
0x24b: {  	s28 =	simm.s32 $0x4  }
0x24c: {  	v43 =	vmov s28;
	v34 =	vmul.f32 $8.000000000e+00, v34  }
0x24d: {  	v35 =	vshrl.u32 v43, $0x3  }
0x24e: {  	v44 =	vshll.u32 v35, v1;
	[tilespmem:v33+s16+$0x0] =	vst.idx.msk $0xffff, v34  }
0x24f: {  	v33 =	vbroadcast v44, $0x0;
	v34 =	vld [tilespmem:s22+$0x0];
	_ =	sdelay $0x1  }
0x250: {  	v45 =	vadd.s32 v17, v33;
	_ =	sdelay $0x2  }
0x251: {  	v34 =	vmul.f32 $8.000000000e+00, v34;
	_ =	sdelay $0x1  }
0x252: {  	[tilespmem:v45+s16+$0x0] =	vst.idx.msk $0xffff, v34  }
0x253: {  	v34 =	vld [tilespmem:s22+$0x10];
	_ =	sdelay $0x1  }
0x254: {  	v46 =	vadd.s32 v18, v33;
	_ =	sdelay $0x2  }
0x255: {  	v34 =	vmul.f32 $8.000000000e+00, v34;
	_ =	sdelay $0x1  }
0x256: {  	[tilespmem:v46+s16+$0x0] =	vst.idx.msk $0xffff, v34  }
0x257: {  	v34 =	vld [tilespmem:s22+$0x20];
	_ =	sdelay $0x1  }
0x258: {  	v47 =	vadd.s32 v19, v33;
	_ =	sdelay $0x2  }
0x259: {  	v34 =	vmul.f32 $8.000000000e+00, v34;
	_ =	sdelay $0x1  }
0x25a: {  	[tilespmem:v47+s16+$0x0] =	vst.idx.msk $0xffff, v34  }
0x25b: {  	v34 =	vld [tilespmem:s22+$0x30];
	_ =	sdelay $0x1  }
0x25c: {  	v33 =	vadd.s32 v20, v33;
	_ =	sdelay $0x1  }
0x25d: {  	s29 =	simm.s32 $0x5  }
0x25e: {  	v48 =	vmov s29;
	v34 =	vmul.f32 $8.000000000e+00, v34  }
0x25f: {  	v35 =	vshrl.u32 v48, $0x3  }
0x260: {  	v49 =	vshll.u32 v35, v1;
	[tilespmem:v33+s16+$0x0] =	vst.idx.msk $0xffff, v34  }
0x261: {  	v33 =	vbroadcast v49, $0x0;
	v34 =	vld [tilespmem:s22+$0x40];
	_ =	sdelay $0x1  }
0x262: {  	v50 =	vadd.s32 v21, v33;
	_ =	sdelay $0x2  }
0x263: {  	v34 =	vmul.f32 $8.000000000e+00, v34;
	_ =	sdelay $0x1  }
0x264: {  	[tilespmem:v50+s16+$0x0] =	vst.idx.msk $0xffff, v34  }
0x265: {  	v34 =	vld [tilespmem:s22+$0x50];
	_ =	sdelay $0x1  }
0x266: {  	v51 =	vadd.s32 v22, v33;
	_ =	sdelay $0x2  }
0x267: {  	v34 =	vmul.f32 $8.000000000e+00, v34;
	_ =	sdelay $0x1  }
0x268: {  	[tilespmem:v51+s16+$0x0] =	vst.idx.msk $0xffff, v34  }
0x269: {  	v34 =	vld [tilespmem:s22+$0x60];
	_ =	sdelay $0x1  }
0x26a: {  	v52 =	vadd.s32 v23, v33;
	_ =	sdelay $0x2  }
0x26b: {  	v34 =	vmul.f32 $8.000000000e+00, v34;
	_ =	sdelay $0x1  }
0x26c: {  	[tilespmem:v52+s16+$0x0] =	vst.idx.msk $0xffff, v34  }
0x26d: {  	v34 =	vld [tilespmem:s22+$0x70];
	_ =	sdelay $0x1  }
0x26e: {  	v33 =	vadd.s32 v24, v33;
	_ =	sdelay $0x1  }
0x26f: {  	s30 =	simm.s32 $0x6  }
0x270: {  	v53 =	vmov s30;
	v34 =	vmul.f32 $8.000000000e+00, v34  }
0x271: {  	v35 =	vshrl.u32 v53, $0x3  }
0x272: {  	v54 =	vshll.u32 v35, v1;
	[tilespmem:v33+s16+$0x0] =	vst.idx.msk $0xffff, v34  }
0x273: {  	v33 =	vbroadcast v54, $0x0;
	v34 =	vld [tilespmem:s22+$0x80];
	_ =	sdelay $0x1  }
0x274: {  	v55 =	vadd.s32 v25, v33;
	_ =	sdelay $0x2  }
0x275: {  	v34 =	vmul.f32 $8.000000000e+00, v34;
	_ =	sdelay $0x1  }
0x276: {  	[tilespmem:v55+s16+$0x0] =	vst.idx.msk $0xffff, v34  }
0x277: {  	v34 =	vld [tilespmem:s22+$0x90];
	_ =	sdelay $0x1  }
0x278: {  	v56 =	vadd.s32 v26, v33;
	_ =	sdelay $0x2  }
0x279: {  	v34 =	vmul.f32 $8.000000000e+00, v34;
	_ =	sdelay $0x1  }
0x27a: {  	[tilespmem:v56+s16+$0x0] =	vst.idx.msk $0xffff, v34  }
0x27b: {  	v34 =	vld [tilespmem:s22+$0xA0];
	_ =	sdelay $0x1  }
0x27c: {  	v57 =	vadd.s32 v27, v33;
	_ =	sdelay $0x2  }
0x27d: {  	v34 =	vmul.f32 $8.000000000e+00, v34;
	_ =	sdelay $0x1  }
0x27e: {  	[tilespmem:v57+s16+$0x0] =	vst.idx.msk $0xffff, v34  }
0x27f: {  	v34 =	vld [tilespmem:s22+$0xB0];
	_ =	sdelay $0x1  }
0x280: {  	v33 =	vadd.s32 v28, v33;
	_ =	sdelay $0x1  }
0x281: {  	s31 =	simm.s32 $0x7  }
0x282: {  	v58 =	vmov s31;
	v34 =	vmul.f32 $8.000000000e+00, v34  }
0x283: {  	v35 =	vshrl.u32 v58, $0x3  }
0x284: {  	v59 =	vshll.u32 v35, v1;
	[tilespmem:v33+s16+$0x0] =	vst.idx.msk $0xffff, v34  }
0x285: {  	v33 =	vbroadcast v59, $0x0;
	v34 =	vld [tilespmem:s22+$0xC0];
	_ =	sdelay $0x1  }
0x286: {  	v60 =	vadd.s32 v29, v33;
	_ =	sdelay $0x2  }
0x287: {  	v34 =	vmul.f32 $8.000000000e+00, v34;
	_ =	sdelay $0x1  }
0x288: {  	[tilespmem:v60+s16+$0x0] =	vst.idx.msk $0xffff, v34  }
0x289: {  	v34 =	vld [tilespmem:s22+$0xD0];
	_ =	sdelay $0x1  }
0x28a: {  	v61 =	vadd.s32 v30, v33;
	_ =	sdelay $0x2  }
0x28b: {  	v34 =	vmul.f32 $8.000000000e+00, v34;
	_ =	sdelay $0x1  }
0x28c: {  	[tilespmem:v61+s16+$0x0] =	vst.idx.msk $0xffff, v34  }
0x28d: {  	v34 =	vld [tilespmem:s22+$0xE0];
	_ =	sdelay $0x1  }
0x28e: {  	v62 =	vadd.s32 v31, v33;
	_ =	sdelay $0x2  }
0x28f: {  	v34 =	vmul.f32 $8.000000000e+00, v34;
	_ =	sdelay $0x1  }
0x290: {  	[tilespmem:v62+s16+$0x0] =	vst.idx.msk $0xffff, v34  }
0x291: {  	v34 =	vld [tilespmem:s22+$0xF0];
	_ =	sdelay $0x1  }
0x292: {  	v33 =	vadd.s32 v32, v33  }
0x293: {  	s23 =	simm.s32 $0x8  }
0x294: {  	v63 =	vmov s23  }
0x295: {  	s24 =	simm.s32 $0x10;
	v35 =	vshrl.u32 v63, $0x3;
	v34 =	vmul.f32 $8.000000000e+00, v34  }
.LBB2_7:
0x296: {  	p0 =	slt.u32 s24, $0x78  }
0x297: {  	v35 =	vshll.u32 v35, v1;
	[tilespmem:v33+s16+$0x0] =	vst.idx.msk $0xffff, v34;
	s22 =	sadd.s32 $0x200, s22;
	s25 =	smov.u32 s24;
	s24 =	sadd.s32 $0x8, s24  }
0x298: {  	v33 =	vld [tilespmem:s22+$0xFFFFFF00];
	v34 =	vbroadcast v35, $0x0;
	_ =	sdelay $0x1  }
0x299: {  	v35 =	vadd.s32 v0, v34;
	_ =	sdelay $0x2  }
0x29a: {  	v33 =	vmul.f32 $8.000000000e+00, v33;
	_ =	sdelay $0x1  }
0x29b: {  	[tilespmem:v35+s16+$0x0] =	vst.idx.msk $0xffff, v33  }
0x29c: {  	v33 =	vld [tilespmem:s22+$0xFFFFFF10];
	_ =	sdelay $0x1  }
0x29d: {  	v35 =	vadd.s32 v2, v34;
	_ =	sdelay $0x2  }
0x29e: {  	v33 =	vmul.f32 $8.000000000e+00, v33;
	_ =	sdelay $0x1  }
0x29f: {  	[tilespmem:v35+s16+$0x0] =	vst.idx.msk $0xffff, v33  }
0x2a0: {  	v33 =	vld [tilespmem:s22+$0xFFFFFF20];
	_ =	sdelay $0x1  }
0x2a1: {  	v35 =	vadd.s32 v3, v34;
	_ =	sdelay $0x2  }
0x2a2: {  	v33 =	vmul.f32 $8.000000000e+00, v33;
	_ =	sdelay $0x1  }
0x2a3: {  	[tilespmem:v35+s16+$0x0] =	vst.idx.msk $0xffff, v33  }
0x2a4: {  	v33 =	vld [tilespmem:s22+$0xFFFFFF30];
	_ =	sdelay $0x1  }
0x2a5: {  	v34 =	vadd.s32 v4, v34;
	_ =	sdelay $0x1  }
0x2a6: {  	s26 =	sadd.s32 $0x1, s23  }
0x2a7: {  	v35 =	vmov s26;
	v33 =	vmul.f32 $8.000000000e+00, v33  }
0x2a8: {  	v35 =	vshrl.u32 v35, $0x3  }
0x2a9: {  	[tilespmem:v34+s16+$0x0] =	vst.idx.msk $0xffff, v33;
	v33 =	vshll.u32 v35, v1  }
0x2aa: {  	v34 =	vld [tilespmem:s22+$0xFFFFFF40];
	v33 =	vbroadcast v33, $0x0;
	_ =	sdelay $0x1  }
0x2ab: {  	v35 =	vadd.s32 v5, v33;
	_ =	sdelay $0x2  }
0x2ac: {  	v34 =	vmul.f32 $8.000000000e+00, v34;
	_ =	sdelay $0x1  }
0x2ad: {  	[tilespmem:v35+s16+$0x0] =	vst.idx.msk $0xffff, v34  }
0x2ae: {  	v34 =	vld [tilespmem:s22+$0xFFFFFF50];
	_ =	sdelay $0x1  }
0x2af: {  	v35 =	vadd.s32 v6, v33;
	_ =	sdelay $0x2  }
0x2b0: {  	v34 =	vmul.f32 $8.000000000e+00, v34;
	_ =	sdelay $0x1  }
0x2b1: {  	[tilespmem:v35+s16+$0x0] =	vst.idx.msk $0xffff, v34  }
0x2b2: {  	v34 =	vld [tilespmem:s22+$0xFFFFFF60];
	_ =	sdelay $0x1  }
0x2b3: {  	v35 =	vadd.s32 v7, v33;
	_ =	sdelay $0x2  }
0x2b4: {  	v34 =	vmul.f32 $8.000000000e+00, v34;
	_ =	sdelay $0x1  }
0x2b5: {  	[tilespmem:v35+s16+$0x0] =	vst.idx.msk $0xffff, v34  }
0x2b6: {  	v34 =	vld [tilespmem:s22+$0xFFFFFF70];
	_ =	sdelay $0x1  }
0x2b7: {  	v33 =	vadd.s32 v8, v33;
	_ =	sdelay $0x1  }
0x2b8: {  	s26 =	sadd.s32 $0x2, s23  }
0x2b9: {  	v35 =	vmov s26;
	v34 =	vmul.f32 $8.000000000e+00, v34  }
0x2ba: {  	v35 =	vshrl.u32 v35, $0x3  }
0x2bb: {  	[tilespmem:v33+s16+$0x0] =	vst.idx.msk $0xffff, v34;
	v33 =	vshll.u32 v35, v1  }
0x2bc: {  	v34 =	vld [tilespmem:s22+$0xFFFFFF80];
	v33 =	vbroadcast v33, $0x0;
	_ =	sdelay $0x1  }
0x2bd: {  	v35 =	vadd.s32 v9, v33;
	_ =	sdelay $0x2  }
0x2be: {  	v34 =	vmul.f32 $8.000000000e+00, v34;
	_ =	sdelay $0x1  }
0x2bf: {  	[tilespmem:v35+s16+$0x0] =	vst.idx.msk $0xffff, v34  }
0x2c0: {  	v34 =	vld [tilespmem:s22+$0xFFFFFF90];
	_ =	sdelay $0x1  }
0x2c1: {  	v35 =	vadd.s32 v10, v33;
	_ =	sdelay $0x2  }
0x2c2: {  	v34 =	vmul.f32 $8.000000000e+00, v34;
	_ =	sdelay $0x1  }
0x2c3: {  	[tilespmem:v35+s16+$0x0] =	vst.idx.msk $0xffff, v34  }
0x2c4: {  	v34 =	vld [tilespmem:s22+$0xFFFFFFA0];
	_ =	sdelay $0x1  }
0x2c5: {  	v35 =	vadd.s32 v11, v33;
	_ =	sdelay $0x2  }
0x2c6: {  	v34 =	vmul.f32 $8.000000000e+00, v34;
	_ =	sdelay $0x1  }
0x2c7: {  	[tilespmem:v35+s16+$0x0] =	vst.idx.msk $0xffff, v34  }
0x2c8: {  	v34 =	vld [tilespmem:s22+$0xFFFFFFB0];
	_ =	sdelay $0x1  }
0x2c9: {  	v33 =	vadd.s32 v12, v33;
	_ =	sdelay $0x1  }
0x2ca: {  	s26 =	sadd.s32 $0x3, s23  }
0x2cb: {  	v35 =	vmov s26;
	v34 =	vmul.f32 $8.000000000e+00, v34  }
0x2cc: {  	v35 =	vshrl.u32 v35, $0x3  }
0x2cd: {  	[tilespmem:v33+s16+$0x0] =	vst.idx.msk $0xffff, v34;
	v33 =	vshll.u32 v35, v1  }
0x2ce: {  	v34 =	vld [tilespmem:s22+$0xFFFFFFC0];
	v33 =	vbroadcast v33, $0x0;
	_ =	sdelay $0x1  }
0x2cf: {  	v35 =	vadd.s32 v13, v33;
	_ =	sdelay $0x2  }
0x2d0: {  	v34 =	vmul.f32 $8.000000000e+00, v34;
	_ =	sdelay $0x1  }
0x2d1: {  	[tilespmem:v35+s16+$0x0] =	vst.idx.msk $0xffff, v34  }
0x2d2: {  	v34 =	vld [tilespmem:s22+$0xFFFFFFD0];
	_ =	sdelay $0x1  }
0x2d3: {  	v35 =	vadd.s32 v14, v33;
	_ =	sdelay $0x2  }
0x2d4: {  	v34 =	vmul.f32 $8.000000000e+00, v34;
	_ =	sdelay $0x1  }
0x2d5: {  	[tilespmem:v35+s16+$0x0] =	vst.idx.msk $0xffff, v34  }
0x2d6: {  	v34 =	vld [tilespmem:s22+$0xFFFFFFE0];
	_ =	sdelay $0x1  }
0x2d7: {  	v35 =	vadd.s32 v15, v33;
	_ =	sdelay $0x2  }
0x2d8: {  	v34 =	vmul.f32 $8.000000000e+00, v34;
	_ =	sdelay $0x1  }
0x2d9: {  	[tilespmem:v35+s16+$0x0] =	vst.idx.msk $0xffff, v34  }
0x2da: {  	v34 =	vld [tilespmem:s22+$0xFFFFFFF0];
	_ =	sdelay $0x1  }
0x2db: {  	v33 =	vadd.s32 v16, v33;
	_ =	sdelay $0x1  }
0x2dc: {  	s26 =	sadd.s32 $0x4, s23  }
0x2dd: {  	v35 =	vmov s26;
	v34 =	vmul.f32 $8.000000000e+00, v34  }
0x2de: {  	v35 =	vshrl.u32 v35, $0x3  }
0x2df: {  	[tilespmem:v33+s16+$0x0] =	vst.idx.msk $0xffff, v34;
	v33 =	vshll.u32 v35, v1  }
0x2e0: {  	v34 =	vld [tilespmem:s22+$0x0];
	v33 =	vbroadcast v33, $0x0;
	_ =	sdelay $0x1  }
0x2e1: {  	v35 =	vadd.s32 v17, v33;
	_ =	sdelay $0x2  }
0x2e2: {  	v34 =	vmul.f32 $8.000000000e+00, v34;
	_ =	sdelay $0x1  }
0x2e3: {  	[tilespmem:v35+s16+$0x0] =	vst.idx.msk $0xffff, v34  }
0x2e4: {  	v34 =	vld [tilespmem:s22+$0x10];
	_ =	sdelay $0x1  }
0x2e5: {  	v35 =	vadd.s32 v18, v33;
	_ =	sdelay $0x2  }
0x2e6: {  	v34 =	vmul.f32 $8.000000000e+00, v34;
	_ =	sdelay $0x1  }
0x2e7: {  	[tilespmem:v35+s16+$0x0] =	vst.idx.msk $0xffff, v34  }
0x2e8: {  	v34 =	vld [tilespmem:s22+$0x20];
	_ =	sdelay $0x1  }
0x2e9: {  	v35 =	vadd.s32 v19, v33;
	_ =	sdelay $0x2  }
0x2ea: {  	v34 =	vmul.f32 $8.000000000e+00, v34;
	_ =	sdelay $0x1  }
0x2eb: {  	[tilespmem:v35+s16+$0x0] =	vst.idx.msk $0xffff, v34  }
0x2ec: {  	v34 =	vld [tilespmem:s22+$0x30];
	_ =	sdelay $0x1  }
0x2ed: {  	v33 =	vadd.s32 v20, v33;
	_ =	sdelay $0x1  }
0x2ee: {  	s26 =	sadd.s32 $0x5, s23  }
0x2ef: {  	v35 =	vmov s26;
	v34 =	vmul.f32 $8.000000000e+00, v34  }
0x2f0: {  	v35 =	vshrl.u32 v35, $0x3  }
0x2f1: {  	[tilespmem:v33+s16+$0x0] =	vst.idx.msk $0xffff, v34;
	v33 =	vshll.u32 v35, v1  }
0x2f2: {  	v34 =	vld [tilespmem:s22+$0x40];
	v33 =	vbroadcast v33, $0x0;
	_ =	sdelay $0x1  }
0x2f3: {  	v35 =	vadd.s32 v21, v33;
	_ =	sdelay $0x2  }
0x2f4: {  	v34 =	vmul.f32 $8.000000000e+00, v34;
	_ =	sdelay $0x1  }
0x2f5: {  	[tilespmem:v35+s16+$0x0] =	vst.idx.msk $0xffff, v34  }
0x2f6: {  	v34 =	vld [tilespmem:s22+$0x50];
	_ =	sdelay $0x1  }
0x2f7: {  	v35 =	vadd.s32 v22, v33;
	_ =	sdelay $0x2  }
0x2f8: {  	v34 =	vmul.f32 $8.000000000e+00, v34;
	_ =	sdelay $0x1  }
0x2f9: {  	[tilespmem:v35+s16+$0x0] =	vst.idx.msk $0xffff, v34  }
0x2fa: {  	v34 =	vld [tilespmem:s22+$0x60];
	_ =	sdelay $0x1  }
0x2fb: {  	v35 =	vadd.s32 v23, v33;
	_ =	sdelay $0x2  }
0x2fc: {  	v34 =	vmul.f32 $8.000000000e+00, v34;
	_ =	sdelay $0x1  }
0x2fd: {  	[tilespmem:v35+s16+$0x0] =	vst.idx.msk $0xffff, v34  }
0x2fe: {  	v34 =	vld [tilespmem:s22+$0x70];
	_ =	sdelay $0x1  }
0x2ff: {  	v33 =	vadd.s32 v24, v33;
	_ =	sdelay $0x1  }
0x300: {  	s26 =	sadd.s32 $0x6, s23  }
0x301: {  	v35 =	vmov s26;
	v34 =	vmul.f32 $8.000000000e+00, v34  }
0x302: {  	v35 =	vshrl.u32 v35, $0x3  }
0x303: {  	[tilespmem:v33+s16+$0x0] =	vst.idx.msk $0xffff, v34;
	v33 =	vshll.u32 v35, v1  }
0x304: {  	v34 =	vld [tilespmem:s22+$0x80];
	v33 =	vbroadcast v33, $0x0;
	_ =	sdelay $0x1  }
0x305: {  	v35 =	vadd.s32 v25, v33;
	_ =	sdelay $0x2  }
0x306: {  	v34 =	vmul.f32 $8.000000000e+00, v34;
	_ =	sdelay $0x1  }
0x307: {  	[tilespmem:v35+s16+$0x0] =	vst.idx.msk $0xffff, v34  }
0x308: {  	v34 =	vld [tilespmem:s22+$0x90];
	_ =	sdelay $0x1  }
0x309: {  	v35 =	vadd.s32 v26, v33;
	_ =	sdelay $0x2  }
0x30a: {  	v34 =	vmul.f32 $8.000000000e+00, v34;
	_ =	sdelay $0x1  }
0x30b: {  	[tilespmem:v35+s16+$0x0] =	vst.idx.msk $0xffff, v34  }
0x30c: {  	v34 =	vld [tilespmem:s22+$0xA0];
	_ =	sdelay $0x1  }
0x30d: {  	v35 =	vadd.s32 v27, v33;
	_ =	sdelay $0x2  }
0x30e: {  	v34 =	vmul.f32 $8.000000000e+00, v34;
	_ =	sdelay $0x1  }
0x30f: {  	[tilespmem:v35+s16+$0x0] =	vst.idx.msk $0xffff, v34  }
0x310: {  	v34 =	vld [tilespmem:s22+$0xB0];
	_ =	sdelay $0x1  }
0x311: {  	v33 =	vadd.s32 v28, v33;
	_ =	sdelay $0x1  }
0x312: {  	s26 =	sadd.s32 $0x7, s23;
	s23 =	smov.u32 s25  }
0x313: {  	v35 =	vmov s26;
	v34 =	vmul.f32 $8.000000000e+00, v34  }
0x314: {  	v35 =	vshrl.u32 v35, $0x3  }
0x315: {  	[tilespmem:v33+s16+$0x0] =	vst.idx.msk $0xffff, v34;
	v33 =	vshll.u32 v35, v1  }
0x316: {  	v34 =	vld [tilespmem:s22+$0xC0];
	v33 =	vbroadcast v33, $0x0;
	_ =	sdelay $0x1  }
0x317: {  	v35 =	vadd.s32 v29, v33;
	_ =	sdelay $0x2  }
0x318: {  	v34 =	vmul.f32 $8.000000000e+00, v34;
	_ =	sdelay $0x1  }
0x319: {  	[tilespmem:v35+s16+$0x0] =	vst.idx.msk $0xffff, v34  }
0x31a: {  	v34 =	vld [tilespmem:s22+$0xD0];
	_ =	sdelay $0x1  }
0x31b: {  	v35 =	vadd.s32 v30, v33;
	_ =	sdelay $0x2  }
0x31c: {  	v34 =	vmul.f32 $8.000000000e+00, v34;
	_ =	sdelay $0x1  }
0x31d: {  	[tilespmem:v35+s16+$0x0] =	vst.idx.msk $0xffff, v34  }
0x31e: {  	v34 =	vld [tilespmem:s22+$0xE0];
	_ =	sdelay $0x1  }
0x31f: {  	v35 =	vadd.s32 v31, v33;
	_ =	sdelay $0x2  }
0x320: {  	v34 =	vmul.f32 $8.000000000e+00, v34;
	_ =	sdelay $0x1  }
0x321: {  	[tilespmem:v35+s16+$0x0] =	vst.idx.msk $0xffff, v34  }
0x322: {  	v34 =	vld [tilespmem:s22+$0xF0];
	_ =	sdelay $0x1  }
.Ltmp2:
0x323: {  	v33 =	vadd.s32 v32, v33;
	(pc) =	sbr.rel @p0 .LBB2_7-.Ltmp2, $3  }
0x324: {  	_ =	sdelay $0x1  }
0x325: {  	v35 =	vmov s23;
	v34 =	vmul.f32 $8.000000000e+00, v34  }
0x326: {  	v35 =	vshrl.u32 v35, $0x3  }
0x327: {  	_ =	sdelay $0x3  }
0x328: {  	v35 =	vshll.u32 v35, v1;
	[tilespmem:v33+s16+$0x0] =	vst.idx.msk $0xffff, v34;
	s22 =	sadd.s32 $0x200, s22  }
0x329: {  	v33 =	vld [tilespmem:s22+$0xFFFFFF00];
	v54 =	vbroadcast v35, $0x0;
	_ =	sdelay $0x1  }
0x32a: {  	v35 =	vadd.s32 v0, v54;
	_ =	sdelay $0x2  }
0x32b: {  	v33 =	vmul.f32 $8.000000000e+00, v33;
	_ =	sdelay $0x1  }
0x32c: {  	[tilespmem:v35+s16+$0x0] =	vst.idx.msk $0xffff, v33  }
0x32d: {  	v33 =	vld [tilespmem:s22+$0xFFFFFF10];
	_ =	sdelay $0x1  }
0x32e: {  	v55 =	vadd.s32 v2, v54;
	_ =	sdelay $0x2  }
0x32f: {  	v33 =	vmul.f32 $8.000000000e+00, v33;
	_ =	sdelay $0x1  }
0x330: {  	[tilespmem:v55+s16+$0x0] =	vst.idx.msk $0xffff, v33  }
0x331: {  	v33 =	vld [tilespmem:s22+$0xFFFFFF20];
	_ =	sdelay $0x1  }
0x332: {  	v56 =	vadd.s32 v3, v54;
	_ =	sdelay $0x2  }
0x333: {  	v33 =	vmul.f32 $8.000000000e+00, v33;
	_ =	sdelay $0x1  }
0x334: {  	[tilespmem:v56+s16+$0x0] =	vst.idx.msk $0xffff, v33  }
0x335: {  	v33 =	vld [tilespmem:s22+$0xFFFFFF30];
	_ =	sdelay $0x1  }
0x336: {  	v34 =	vadd.s32 v4, v54;
	_ =	sdelay $0x1  }
0x337: {  	s24 =	sadd.s32 $0x1, s23  }
0x338: {  	v57 =	vmov s24;
	v33 =	vmul.f32 $8.000000000e+00, v33  }
0x339: {  	v35 =	vshrl.u32 v57, $0x3  }
0x33a: {  	v58 =	vshll.u32 v35, v1;
	[tilespmem:v34+s16+$0x0] =	vst.idx.msk $0xffff, v33  }
0x33b: {  	v33 =	vbroadcast v58, $0x0;
	v34 =	vld [tilespmem:s22+$0xFFFFFF40];
	_ =	sdelay $0x1  }
0x33c: {  	v59 =	vadd.s32 v5, v33;
	_ =	sdelay $0x2  }
0x33d: {  	v34 =	vmul.f32 $8.000000000e+00, v34;
	_ =	sdelay $0x1  }
0x33e: {  	[tilespmem:v59+s16+$0x0] =	vst.idx.msk $0xffff, v34  }
0x33f: {  	v34 =	vld [tilespmem:s22+$0xFFFFFF50];
	_ =	sdelay $0x1  }
0x340: {  	v60 =	vadd.s32 v6, v33;
	_ =	sdelay $0x2  }
0x341: {  	v34 =	vmul.f32 $8.000000000e+00, v34;
	_ =	sdelay $0x1  }
0x342: {  	[tilespmem:v60+s16+$0x0] =	vst.idx.msk $0xffff, v34  }
0x343: {  	v34 =	vld [tilespmem:s22+$0xFFFFFF60];
	_ =	sdelay $0x1  }
0x344: {  	v61 =	vadd.s32 v7, v33;
	_ =	sdelay $0x2  }
0x345: {  	v34 =	vmul.f32 $8.000000000e+00, v34;
	_ =	sdelay $0x1  }
0x346: {  	[tilespmem:v61+s16+$0x0] =	vst.idx.msk $0xffff, v34  }
0x347: {  	v34 =	vld [tilespmem:s22+$0xFFFFFF70];
	_ =	sdelay $0x1  }
0x348: {  	v33 =	vadd.s32 v8, v33;
	_ =	sdelay $0x1  }
0x349: {  	s26 =	sadd.s32 $0x2, s23  }
0x34a: {  	v62 =	vmov s26;
	v34 =	vmul.f32 $8.000000000e+00, v34  }
0x34b: {  	v35 =	vshrl.u32 v62, $0x3  }
0x34c: {  	v63 =	vshll.u32 v35, v1;
	[tilespmem:v33+s16+$0x0] =	vst.idx.msk $0xffff, v34  }
0x34d: {  	v33 =	vbroadcast v63, $0x0;
	v34 =	vld [tilespmem:s22+$0xFFFFFF80];
	_ =	sdelay $0x1  }
0x34e: {  	v36 =	vadd.s32 v9, v33;
	_ =	sdelay $0x2  }
0x34f: {  	v34 =	vmul.f32 $8.000000000e+00, v34;
	_ =	sdelay $0x1  }
0x350: {  	[tilespmem:v36+s16+$0x0] =	vst.idx.msk $0xffff, v34  }
0x351: {  	v34 =	vld [tilespmem:s22+$0xFFFFFF90];
	_ =	sdelay $0x1  }
0x352: {  	v37 =	vadd.s32 v10, v33;
	_ =	sdelay $0x2  }
0x353: {  	v34 =	vmul.f32 $8.000000000e+00, v34;
	_ =	sdelay $0x1  }
0x354: {  	[tilespmem:v37+s16+$0x0] =	vst.idx.msk $0xffff, v34  }
0x355: {  	v34 =	vld [tilespmem:s22+$0xFFFFFFA0];
	_ =	sdelay $0x1  }
0x356: {  	v38 =	vadd.s32 v11, v33;
	_ =	sdelay $0x2  }
0x357: {  	v34 =	vmul.f32 $8.000000000e+00, v34;
	_ =	sdelay $0x1  }
0x358: {  	[tilespmem:v38+s16+$0x0] =	vst.idx.msk $0xffff, v34  }
0x359: {  	v34 =	vld [tilespmem:s22+$0xFFFFFFB0];
	_ =	sdelay $0x1  }
0x35a: {  	v33 =	vadd.s32 v12, v33;
	_ =	sdelay $0x1  }
0x35b: {  	s28 =	sadd.s32 $0x3, s23  }
0x35c: {  	v39 =	vmov s28;
	v34 =	vmul.f32 $8.000000000e+00, v34  }
0x35d: {  	v35 =	vshrl.u32 v39, $0x3  }
0x35e: {  	v40 =	vshll.u32 v35, v1;
	[tilespmem:v33+s16+$0x0] =	vst.idx.msk $0xffff, v34  }
0x35f: {  	v33 =	vbroadcast v40, $0x0;
	v34 =	vld [tilespmem:s22+$0xFFFFFFC0];
	_ =	sdelay $0x1  }
0x360: {  	v41 =	vadd.s32 v13, v33;
	_ =	sdelay $0x2  }
0x361: {  	v34 =	vmul.f32 $8.000000000e+00, v34;
	_ =	sdelay $0x1  }
0x362: {  	[tilespmem:v41+s16+$0x0] =	vst.idx.msk $0xffff, v34  }
0x363: {  	v34 =	vld [tilespmem:s22+$0xFFFFFFD0];
	_ =	sdelay $0x1  }
0x364: {  	v42 =	vadd.s32 v14, v33;
	_ =	sdelay $0x2  }
0x365: {  	v34 =	vmul.f32 $8.000000000e+00, v34;
	_ =	sdelay $0x1  }
0x366: {  	[tilespmem:v42+s16+$0x0] =	vst.idx.msk $0xffff, v34  }
0x367: {  	v34 =	vld [tilespmem:s22+$0xFFFFFFE0];
	_ =	sdelay $0x1  }
0x368: {  	v43 =	vadd.s32 v15, v33;
	_ =	sdelay $0x2  }
0x369: {  	v34 =	vmul.f32 $8.000000000e+00, v34;
	_ =	sdelay $0x1  }
0x36a: {  	[tilespmem:v43+s16+$0x0] =	vst.idx.msk $0xffff, v34  }
0x36b: {  	v34 =	vld [tilespmem:s22+$0xFFFFFFF0];
	_ =	sdelay $0x1  }
0x36c: {  	v33 =	vadd.s32 v16, v33;
	_ =	sdelay $0x1  }
0x36d: {  	s29 =	sadd.s32 $0x4, s23  }
0x36e: {  	v44 =	vmov s29;
	v34 =	vmul.f32 $8.000000000e+00, v34  }
0x36f: {  	v35 =	vshrl.u32 v44, $0x3  }
0x370: {  	v45 =	vshll.u32 v35, v1;
	[tilespmem:v33+s16+$0x0] =	vst.idx.msk $0xffff, v34  }
0x371: {  	v33 =	vbroadcast v45, $0x0;
	v34 =	vld [tilespmem:s22+$0x0];
	_ =	sdelay $0x1  }
0x372: {  	v46 =	vadd.s32 v17, v33;
	_ =	sdelay $0x2  }
0x373: {  	v34 =	vmul.f32 $8.000000000e+00, v34;
	_ =	sdelay $0x1  }
0x374: {  	[tilespmem:v46+s16+$0x0] =	vst.idx.msk $0xffff, v34  }
0x375: {  	v34 =	vld [tilespmem:s22+$0x10];
	_ =	sdelay $0x1  }
0x376: {  	v47 =	vadd.s32 v18, v33;
	_ =	sdelay $0x2  }
0x377: {  	v34 =	vmul.f32 $8.000000000e+00, v34;
	_ =	sdelay $0x1  }
0x378: {  	[tilespmem:v47+s16+$0x0] =	vst.idx.msk $0xffff, v34  }
0x379: {  	v34 =	vld [tilespmem:s22+$0x20];
	_ =	sdelay $0x1  }
0x37a: {  	v48 =	vadd.s32 v19, v33;
	_ =	sdelay $0x2  }
0x37b: {  	v34 =	vmul.f32 $8.000000000e+00, v34;
	_ =	sdelay $0x1  }
0x37c: {  	[tilespmem:v48+s16+$0x0] =	vst.idx.msk $0xffff, v34  }
0x37d: {  	v34 =	vld [tilespmem:s22+$0x30];
	_ =	sdelay $0x1  }
0x37e: {  	v33 =	vadd.s32 v20, v33;
	_ =	sdelay $0x1  }
0x37f: {  	s30 =	sadd.s32 $0x5, s23  }
0x380: {  	v49 =	vmov s30;
	v34 =	vmul.f32 $8.000000000e+00, v34  }
0x381: {  	v35 =	vshrl.u32 v49, $0x3  }
0x382: {  	v50 =	vshll.u32 v35, v1;
	[tilespmem:v33+s16+$0x0] =	vst.idx.msk $0xffff, v34  }
0x383: {  	v33 =	vbroadcast v50, $0x0;
	v34 =	vld [tilespmem:s22+$0x40];
	_ =	sdelay $0x1  }
0x384: {  	v51 =	vadd.s32 v21, v33;
	_ =	sdelay $0x2  }
0x385: {  	v34 =	vmul.f32 $8.000000000e+00, v34;
	_ =	sdelay $0x1  }
0x386: {  	[tilespmem:v51+s16+$0x0] =	vst.idx.msk $0xffff, v34  }
0x387: {  	v34 =	vld [tilespmem:s22+$0x50];
	_ =	sdelay $0x1  }
0x388: {  	v52 =	vadd.s32 v22, v33;
	_ =	sdelay $0x2  }
0x389: {  	v34 =	vmul.f32 $8.000000000e+00, v34;
	_ =	sdelay $0x1  }
0x38a: {  	[tilespmem:v52+s16+$0x0] =	vst.idx.msk $0xffff, v34  }
0x38b: {  	v34 =	vld [tilespmem:s22+$0x60];
	_ =	sdelay $0x1  }
0x38c: {  	v53 =	vadd.s32 v23, v33;
	_ =	sdelay $0x2  }
0x38d: {  	v34 =	vmul.f32 $8.000000000e+00, v34;
	_ =	sdelay $0x1  }
0x38e: {  	[tilespmem:v53+s16+$0x0] =	vst.idx.msk $0xffff, v34  }
0x38f: {  	v34 =	vld [tilespmem:s22+$0x70];
	_ =	sdelay $0x1  }
0x390: {  	v33 =	vadd.s32 v24, v33;
	_ =	sdelay $0x1  }
0x391: {  	s31 =	sadd.s32 $0x6, s23  }
0x392: {  	v54 =	vmov s31;
	v34 =	vmul.f32 $8.000000000e+00, v34  }
0x393: {  	v35 =	vshrl.u32 v54, $0x3  }
0x394: {  	v55 =	vshll.u32 v35, v1;
	[tilespmem:v33+s16+$0x0] =	vst.idx.msk $0xffff, v34  }
0x395: {  	v33 =	vbroadcast v55, $0x0;
	v34 =	vld [tilespmem:s22+$0x80];
	_ =	sdelay $0x1  }
0x396: {  	v56 =	vadd.s32 v25, v33;
	_ =	sdelay $0x2  }
0x397: {  	v34 =	vmul.f32 $8.000000000e+00, v34;
	_ =	sdelay $0x1  }
0x398: {  	[tilespmem:v56+s16+$0x0] =	vst.idx.msk $0xffff, v34  }
0x399: {  	v34 =	vld [tilespmem:s22+$0x90];
	_ =	sdelay $0x1  }
0x39a: {  	v57 =	vadd.s32 v26, v33;
	_ =	sdelay $0x2  }
0x39b: {  	v34 =	vmul.f32 $8.000000000e+00, v34;
	_ =	sdelay $0x1  }
0x39c: {  	[tilespmem:v57+s16+$0x0] =	vst.idx.msk $0xffff, v34  }
0x39d: {  	v34 =	vld [tilespmem:s22+$0xA0];
	_ =	sdelay $0x1  }
0x39e: {  	v58 =	vadd.s32 v27, v33;
	_ =	sdelay $0x2  }
0x39f: {  	v34 =	vmul.f32 $8.000000000e+00, v34;
	_ =	sdelay $0x1  }
0x3a0: {  	[tilespmem:v58+s16+$0x0] =	vst.idx.msk $0xffff, v34  }
0x3a1: {  	v34 =	vld [tilespmem:s22+$0xB0];
	_ =	sdelay $0x1  }
0x3a2: {  	v33 =	vadd.s32 v28, v33;
	_ =	sdelay $0x1  }
0x3a3: {  	s25 =	sadd.s32 $0x7, s23  }
0x3a4: {  	v59 =	vmov s25;
	v34 =	vmul.f32 $8.000000000e+00, v34  }
0x3a5: {  	v35 =	vshrl.u32 v59, $0x3  }
0x3a6: {  	v60 =	vshll.u32 v35, v1;
	[tilespmem:v33+s16+$0x0] =	vst.idx.msk $0xffff, v34  }
0x3a7: {  	v33 =	vbroadcast v60, $0x0;
	v34 =	vld [tilespmem:s22+$0xC0];
	_ =	sdelay $0x1  }
0x3a8: {  	v61 =	vadd.s32 v29, v33;
	_ =	sdelay $0x2  }
0x3a9: {  	v34 =	vmul.f32 $8.000000000e+00, v34;
	_ =	sdelay $0x1  }
0x3aa: {  	[tilespmem:v61+s16+$0x0] =	vst.idx.msk $0xffff, v34  }
0x3ab: {  	v34 =	vld [tilespmem:s22+$0xD0];
	_ =	sdelay $0x1  }
0x3ac: {  	v62 =	vadd.s32 v30, v33;
	_ =	sdelay $0x2  }
0x3ad: {  	v34 =	vmul.f32 $8.000000000e+00, v34;
	_ =	sdelay $0x1  }
0x3ae: {  	[tilespmem:v62+s16+$0x0] =	vst.idx.msk $0xffff, v34  }
0x3af: {  	v34 =	vld [tilespmem:s22+$0xE0];
	_ =	sdelay $0x1  }
0x3b0: {  	v63 =	vadd.s32 v31, v33;
	_ =	sdelay $0x2  }
0x3b1: {  	v34 =	vmul.f32 $8.000000000e+00, v34;
	_ =	sdelay $0x1  }
0x3b2: {  	[tilespmem:v63+s16+$0x0] =	vst.idx.msk $0xffff, v34  }
0x3b3: {  	v34 =	vld [tilespmem:s22+$0xF0];
	_ =	sdelay $0x1  }
0x3b4: {  	v33 =	vadd.s32 v32, v33;
	_ =	sdelay $0x1  }
0x3b5: {  	s21 =	sshll.u32 s21, $0x12  }
0x3b6: {  	s21 =	sor.u32 s6, s21;
	v34 =	vmul.f32 $8.000000000e+00, v34  }
0x3b7: {  	s21 =	sshrl.u32 s21, $0x3  }
0x3b8: {  	s26 =	simm.s32 $0xC600;
	s22 =	sadd.s32 s1, s21;
	[tilespmem:v33+s16+$0x0] =	vst.idx.msk $0xffff, v34  }
0x3b9: {  	[hbm4b:s22+s3] =	stream.linear.scatter [tilespmem:s26], [sflag:$0x4], $0x80, $0x38;
	[tilespmem:$0xE800] =	vst v63  }
0x3ba: {  	s28 =	simm.s32 $0xC688;
	s29 =	sadd.s32 $0x10, s22  }
0x3bb: {  	[hbm4b:s29+s3] =	stream.linear.scatter [tilespmem:s28], [sflag:$0x4], $0x80, $0x38;
	[tilespmem:$0xE800] =	vst v63  }
0x3bc: {  	s23 =	simm.s32 $0xC798;
	s30 =	simm.s32 $0xC710;
	s31 =	sadd.s32 $0x20, s22  }
0x3bd: {  	[hbm4b:s31+s3] =	stream.linear.scatter [tilespmem:s30], [sflag:$0x4], $0x80, $0x38;
	[tilespmem:$0xE800] =	vst v63  }
0x3be: {  	s25 =	simm.s32 $0xC820;
	s21 =	simm.s32 $0x440;
	s24 =	sadd.s32 $0x30, s22  }
0x3bf: {  	[hbm4b:s24+s3] =	stream.linear.scatter [tilespmem:s23], [sflag:$0x4], $0x80, $0x38;
	[tilespmem:$0xE800] =	vst v63  }
0x3c0: {  	s26 =	sadd.s32 $0x40, s22;
	s28 =	simm.s32 $0xC8A8;
	s29 =	sadd.s32 $0x50, s22  }
0x3c1: {  	[hbm4b:s26+s3] =	stream.linear.scatter [tilespmem:s25], [sflag:$0x4], $0x80, $0x38;
	[tilespmem:$0xE800] =	vst v63  }
0x3c2: {  	s30 =	simm.s32 $0xC930;
	s31 =	sadd.s32 $0x60, s22;
	s23 =	simm.s32 $0x2200  }
0x3c3: {  	[hbm4b:s29+s3] =	stream.linear.scatter [tilespmem:s28], [sflag:$0x4], $0x80, $0x38;
	[tilespmem:$0xE800] =	vst v63  }
0x3c4: {  	s24 =	simm.s32 $0xC9B8;
	s25 =	sadd.s32 $0x70, s22;
	s22 =	sadd.s32 $0x1000, s22  }
0x3c5: {  	[hbm4b:s31+s3] =	stream.linear.scatter [tilespmem:s30], [sflag:$0x4], $0x80, $0x38;
	[tilespmem:$0xE800] =	vst v63  }
.LBB2_9:
0x3c6: {  	[hbm4b:s25+s3] =	stream.linear.scatter [tilespmem:s24], [sflag:$0x4], $0x80, $0x38;
	[tilespmem:$0xE800] =	vst v63  }
0x3c7: {  	s24 =	smov.u32 s21;
	s21 =	smov.u32 s23  }
0x3c8: {  	s26 =	sadd.s32 $0x1100, s23;
	s21 =	sshra.s32 s21, $0x2;
	s25 =	sadd.s32 $0xC600, s24  }
0x3c9: {  	[hbm4b:s22+s3] =	stream.linear.scatter [tilespmem:s25], [sflag:$0x4], $0x80, $0x38;
	[tilespmem:$0xE800] =	vst v63  }
0x3ca: {  	p0 =	sne.s32 s23, $0x7700;
	s23 =	sadd.s32 $0xC688, s24;
	s25 =	sadd.s32 $0x10, s22  }
0x3cb: {  	[hbm4b:s25+s3] =	stream.linear.scatter [tilespmem:s23], [sflag:$0x4], $0x80, $0x38;
	[tilespmem:$0xE800] =	vst v63  }
0x3cc: {  	s23 =	sadd.s32 $0xC710, s24;
	s25 =	sadd.s32 $0x20, s22  }
0x3cd: {  	[hbm4b:s25+s3] =	stream.linear.scatter [tilespmem:s23], [sflag:$0x4], $0x80, $0x38;
	[tilespmem:$0xE800] =	vst v63  }
0x3ce: {  	s23 =	sadd.s32 $0xC798, s24;
	s25 =	sadd.s32 $0x30, s22  }
0x3cf: {  	[hbm4b:s25+s3] =	stream.linear.scatter [tilespmem:s23], [sflag:$0x4], $0x80, $0x38;
	[tilespmem:$0xE800] =	vst v63  }
0x3d0: {  	s23 =	sadd.s32 $0xC820, s24;
	s25 =	sadd.s32 $0x40, s22  }
0x3d1: {  	[hbm4b:s25+s3] =	stream.linear.scatter [tilespmem:s23], [sflag:$0x4], $0x80, $0x38;
	[tilespmem:$0xE800] =	vst v63  }
.Ltmp3:
0x3d2: {  	s23 =	sadd.s32 $0xC8A8, s24;
	s25 =	sadd.s32 $0x50, s22;
	(pc) =	sbr.rel @p0 .LBB2_9-.Ltmp3, $4  }
0x3d3: {  	[hbm4b:s25+s3] =	stream.linear.scatter [tilespmem:s23], [sflag:$0x4], $0x80, $0x38;
	[tilespmem:$0xE800] =	vst v63  }
0x3d4: {  	s23 =	sadd.s32 $0xC930, s24;
	s25 =	sadd.s32 $0x60, s22;
	s24 =	sadd.s32 $0xC9B8, s24  }
0x3d5: {  	[hbm4b:s25+s3] =	stream.linear.scatter [tilespmem:s23], [sflag:$0x4], $0x80, $0x38;
	[tilespmem:$0xE800] =	vst v63  }
0x3d6: {  	s25 =	sadd.s32 $0x70, s22;
	s22 =	sadd.s32 $0x1000, s22;
	s23 =	smov.u32 s26  }
0x3d7: {  	[hbm4b:s25+s3] =	stream.linear.scatter [tilespmem:s24], [sflag:$0x4], $0x80, $0x38;
	[tilespmem:$0xE800] =	vst v63  }
0x3d8: {  	s23 =	sadd.s32 $0xC600, s21  }
0x3d9: {  	[hbm4b:s22+s3] =	stream.linear.scatter [tilespmem:s23], [sflag:$0x4], $0x80, $0x38;
	[tilespmem:$0xE800] =	vst v63  }
0x3da: {  	s30 =	sadd.s32 $0xC688, s21;
	s31 =	sadd.s32 $0x10, s22  }
0x3db: {  	[hbm4b:s31+s3] =	stream.linear.scatter [tilespmem:s30], [sflag:$0x4], $0x80, $0x38;
	[tilespmem:$0xE800] =	vst v63  }
0x3dc: {  	s25 =	sadd.s32 $0xC710, s21;
	s26 =	sadd.s32 $0x20, s22  }
0x3dd: {  	[hbm4b:s26+s3] =	stream.linear.scatter [tilespmem:s25], [sflag:$0x4], $0x80, $0x38;
	[tilespmem:$0xE800] =	vst v63  }
0x3de: {  	s28 =	sadd.s32 $0xC798, s21;
	s29 =	sadd.s32 $0x30, s22  }
0x3df: {  	[hbm4b:s29+s3] =	stream.linear.scatter [tilespmem:s28], [sflag:$0x4], $0x80, $0x38;
	[tilespmem:$0xE800] =	vst v63  }
0x3e0: {  	s20 =	sadd.s32 $0x1, s20;
	s30 =	sadd.s32 $0xC820, s21;
	s31 =	sadd.s32 $0x40, s22  }
0x3e1: {  	[hbm4b:s31+s3] =	stream.linear.scatter [tilespmem:s30], [sflag:$0x4], $0x80, $0x38;
	[tilespmem:$0xE800] =	vst v63  }
0x3e2: {  	p0 =	sne.s32 s20, $0x64;
	s25 =	sadd.s32 $0xC8A8, s21;
	s26 =	sadd.s32 $0x50, s22  }
0x3e3: {  	[hbm4b:s26+s3] =	stream.linear.scatter [tilespmem:s25], [sflag:$0x4], $0x80, $0x38;
	[tilespmem:$0xE800] =	vst v63  }
.Ltmp4:
0x3e4: {  	_ = 	snop;
	(pc) =	sbr.rel @p0 .LBB2_2-.Ltmp4, $4  }
0x3e5: {  	s28 =	sadd.s32 $0xC930, s21;
	s29 =	sadd.s32 $0x60, s22  }
0x3e6: {  	[hbm4b:s29+s3] =	stream.linear.scatter [tilespmem:s28], [sflag:$0x4], $0x80, $0x38;
	[tilespmem:$0xE800] =	vst v63  }
0x3e7: {  	s30 =	sadd.s32 $0xC9B8, s21;
	s31 =	sadd.s32 $0x70, s22  }
0x3e8: {  	[hbm4b:s31+s3] =	stream.linear.scatter [tilespmem:s30], [sflag:$0x4], $0x80, $0x38;
	[tilespmem:$0xE800] =	vst v63  }
0x3e9: {  	s19 =	sadd.s32 $0x1, s19  }
0x3ea: {  	_ =	swait.ge [sflag:s17], $0x2000;
	p0 =	sne.s32 s19, s7  }
.Ltmp5:
0x3eb: {  	[sflag:s17] =	ssyncset.done $0x0;
	(pc) =	sbr.rel @p0 .LBB2_1-.Ltmp5, $4  }
0x3ec: {  	[sflag:s17] =	ssyncadd.s32 $0xFFFFE000  }
0x3ed: {  	_ =	swait.ge [sflag:s18], $0x2000  }
0x3ee: {  	[sflag:s18] =	ssyncset.done $0x0  }
0x3ef: {  	[sflag:s18] =	ssyncadd.s32 $0xFFFFE000  }
0x3f0: {  	_ =	sfence.sel $0x180000  }
0x3f1: {  	[bflag:$0x0] =	sbarrier.arrive $0xFFFF  }
0x3f2: {  	p0 =	sne.s32 s2, $0x0;
	_ =	strace $0x90000047  }
0x3f3: {  	s0 =	sadd.s32 @!p0 $0x100000, s0;
	[bflag:$0x2] =	sbarrier.arrive $0xFFFF  }
0x3f4: {  	[sflag:s0] =	ssyncadd.tile.s32 @!p0 $0x1;
	_ =	shalt  }
.Lfunc_end2:
_tile_overlayer_lowered:
.L_overlay_start_2:
0x3f5: {  	(tag) =	ssettag $0x2  }
0x3f6: {  	s0 =	rddreg [dreg:$0x0];
	s2 =	stileid.u32  }
0x3f7: {  	s1 =	rddreg [dreg:$0x1];
	p0 =	sne.s32 s2, $0x0  }
0x3f8: {  	s3 =	rddreg [dreg:$0x2];
	[bflag:$0x3] =	sbarrier.arrive $0xFFFF;
	s2 =	simm.s32 @!p0 $0x1C05  }
0x3f9: {  	[timem:s3], [sflag:s2] =	dma.local @!p0 [hbm:s0], s1  }
0x3fa: {  	s0 =	simm.s32 @!p0 $0x5  }
0x3fb: {  	_ =	swait.ge @!p0 [sflag:s0], s1  }
0x3fc: {  	s1 =	ssub.s32 @!p0 $0x0, s1;
	[sflag:s0] =	ssyncset.done @!p0 $0x0  }
0x3fd: {  	[sflag:s0] =	ssyncadd.s32 @!p0 s1  }
0x3fe: {  	[bflag:$0x3] =	sbarrier.arrive $0xFFFF  }
0x3ff: {  	_ =	shalt  }

</sc_bundles>
